<compile_context>
chip_gen: v7x
topology: tpu7x:2x2x1
jax: 0.10.2.dev20260603
libtpu: 0.0.44.dev20260713+nightly
codegen_flags: <defaults>
</compile_context>

<pallas_src>
import functools

import jax
import jax.numpy as jnp
from jax import lax
from jax.experimental import pallas as pl
from jax.experimental.pallas import tpu as pltpu
from jax.experimental.pallas import tpu_sc as plsc

N_DAYS = 366
D_MODEL = 256
BATCH = 16384

NC = 2
NS = 16
NW = NC * NS
B_PER_W = BATCH // NW
CHUNK = 128
N_CHUNK = B_PER_W // CHUNK
NBUF = 3
NREP = 8
N_DAYS_PAD = 368

_mesh = plsc.VectorSubcoreMesh(core_axis_name="c", subcore_axis_name="s")


@functools.partial(
    pl.kernel,
    mesh=_mesh,
    out_type=jax.ShapeDtypeStruct((BATCH, D_MODEL), jnp.float32),
    scratch_types=[
        pltpu.VMEM((N_CHUNK, CHUNK), jnp.int32),
        *[pltpu.VMEM((CHUNK, D_MODEL), jnp.float32) for _ in range(NBUF)],
        *[pltpu.SemaphoreType.DMA for _ in range(2 * NBUF)],
    ],
)
def _gather_kernel(x_hbm, repl_hbm, out_hbm, idx_v, *scratch):
    bufs = scratch[:NBUF]
    gsems = scratch[NBUF:NBUF + NBUF]
    ssems = scratch[NBUF + NBUF:]
    sid = lax.axis_index("s")
    wid = sid * NC + lax.axis_index("c")
    base = wid * B_PER_W

    pltpu.sync_copy(x_hbm.at[pl.ds(wid * N_CHUNK, N_CHUNK)], idx_v)

    roff = (wid % NREP) * N_DAYS_PAD

    def fixup(j):
        for k in range(CHUNK // 16):
            v = idx_v[j, pl.ds(k * 16, 16)]
            idx_v[j, pl.ds(k * 16, 16)] = jnp.where(v == 0, N_DAYS - 1, v - 1) + roff

    def gather(j):
        return pltpu.async_copy(repl_hbm.at[idx_v.at[j]], bufs[j % NBUF], gsems[j % NBUF])

    def scatter(j):
        return pltpu.async_copy(
            bufs[j % NBUF], out_hbm.at[pl.ds(base + j * CHUNK, CHUNK)], ssems[j % NBUF]
        )

    gcp = [None] * N_CHUNK
    scp = [None] * N_CHUNK
    for j in range(N_CHUNK):
        fixup(j)
        if j < NBUF:
            gcp[j] = gather(j)
    for j in range(N_CHUNK):
        gcp[j].wait()
        scp[j] = scatter(j)
        if j + NBUF < N_CHUNK:
            scp[j].wait()
            gcp[j + NBUF] = gather(j + NBUF)
    for j in range(max(0, N_CHUNK - NBUF), N_CHUNK):
        scp[j].wait()


def kernel(x, pe):
    repl = jnp.tile(jnp.pad(pe, ((0, N_DAYS_PAD - N_DAYS), (0, 0))), (NREP, 1))
    x2d = x.astype(jnp.int32).reshape(BATCH // CHUNK, CHUNK)
    return _gather_kernel(x2d, repl)

# --- scband reference (transcript-rebuilt; emitter-appended) ---
"""Pipeline reference for scband-positional-encoder-11046655885708 (READ-ONLY COPY).

The authoritative reference and input builder live on the scoring server;
editing this copy changes nothing except your own understanding.
"""

import jax, jax.numpy as jnp
import numpy as np

N_DAYS = 366
D_MODEL = 256
BATCH = 16384

def build_pe(n_days, d_model):
    pe = np.zeros((n_days, d_model), dtype=np.float32)
    pos = np.arange(n_days, dtype=np.float64)[:, None]
    i_even = np.arange(0, d_model, 2, dtype=np.float64)
    # pe[pos, i]   = sin(pos / 10 ** (2*i/d_model))
    # pe[pos, i+1] = cos(pos / 10 ** (2*(i+1)/d_model))
    pe[:, 0::2] = np.sin(pos / np.power(10.0, 2.0 * i_even / d_model))
    pe[:, 1::2] = np.cos(pos / np.power(10.0, 2.0 * (i_even + 1.0) / d_model))
    return jnp.asarray(pe, dtype=jnp.float32)

def setup_inputs(seed: int = 0) -> dict:
    key = jax.random.key(seed)
    x = jax.random.randint(key, (BATCH,), 0, 366).astype(jnp.int64)
    pe = build_pe(N_DAYS, D_MODEL)
    return {"x": x, "pe": pe}

def reference(x, pe):
    # forward: lookup pe[x - 1, :] (negative index -1 wraps to last row, matching torch)
    return pe[x - 1, :]

if __name__ == "__main__":
    import jax
    _d = setup_inputs()
    print(jax.jit(kernel)(*tuple(_d.values())))

</pallas_src>

<mosaic_0001>
#map = affine_map<(d0, d1) -> (0, 0)>
module attributes {stable_mosaic.version = 14 : i64} {
  func.func @_gather_kernel(%arg0: i32, %arg1: i32, %arg2: memref<128x128xi32, #tpu.memory_space<hbm>>, %arg3: memref<2944x256xf32, #tpu.memory_space<hbm>>, %arg4: memref<16384x256xf32, #tpu.memory_space<hbm>>, %arg5: memref<4x128xi32, #tpu.memory_space<vmem>>, %arg6: memref<128x256xf32, #tpu.memory_space<vmem>>, %arg7: memref<128x256xf32, #tpu.memory_space<vmem>>, %arg8: memref<128x256xf32, #tpu.memory_space<vmem>>, %arg9: memref<!tpu.dma_semaphore, #tpu.memory_space<semaphore_mem>>, %arg10: memref<!tpu.dma_semaphore, #tpu.memory_space<semaphore_mem>>, %arg11: memref<!tpu.dma_semaphore, #tpu.memory_space<semaphore_mem>>, %arg12: memref<!tpu.dma_semaphore, #tpu.memory_space<semaphore_mem>>, %arg13: memref<!tpu.dma_semaphore, #tpu.memory_space<semaphore_mem>>, %arg14: memref<!tpu.dma_semaphore, #tpu.memory_space<semaphore_mem>>) attributes {dimension_semantics = [#tpu.dimension_semantics<core_parallel>, #tpu.dimension_semantics<subcore_parallel>], iteration_bounds = array<i64: 2, 16>, scalar_prefetch = 0 : i64, scratch_operands = 10 : i64, tpu.core_type = #tpu.core_type<sc_vector_subcore>, window_params = [{transform_indices = #map}, {transform_indices = #map}, {transform_indices = #map}]} {
    %mul3A = arith.constant 2 : i32
    %mul3A_0 = arith.muli %arg1, %mul3A : i32
    %add3A = arith.addi %mul3A_0, %arg0 : i32
    %mul3A_1 = arith.constant 512 : i32
    %mul3A_2 = arith.muli %add3A, %mul3A_1 : i32
    %mul3A_3 = arith.constant 4 : i32
    %mul3A_4 = arith.muli %add3A, %mul3A_3 : i32
    "tpu.region"() ({
      %run_scoped3A = tpu.sem_alloc : memref<!tpu.dma_semaphore, #tpu.memory_space<semaphore_mem>>
      %dma_start3A_810 = arith.constant 0 : i32
      %dma_start3A_811 = tpu.memref_slice %arg2[%mul3A_4, %dma_start3A_810] : memref<128x128xi32, #tpu.memory_space<hbm>> -> memref<4x128xi32, #tpu.memory_space<hbm>>
      %dma_start3A_812 = arith.constant 0 : i32
      %dma_start3A_813 = tpu.memref_slice %arg2[%mul3A_4, %dma_start3A_812] : memref<128x128xi32, #tpu.memory_space<hbm>> -> memref<4x128xi32, #tpu.memory_space<hbm>>
      tpu.enqueue_dma source(%dma_start3A_813 : memref<4x128xi32, #tpu.memory_space<hbm>>) target(%arg5 : memref<4x128xi32, #tpu.memory_space<vmem>>) target_semaphore(%run_scoped3A : memref<!tpu.dma_semaphore, #tpu.memory_space<semaphore_mem>>)
      %dma_wait3A_814 = arith.constant 0 : i32
      %dma_wait3A_815 = tpu.memref_slice %arg2[%mul3A_4, %dma_wait3A_814] : memref<128x128xi32, #tpu.memory_space<hbm>> -> memref<4x128xi32, #tpu.memory_space<hbm>>
      %dma_wait3A_816 = arith.constant 0 : i32
      %dma_wait3A_817 = tpu.memref_slice %arg2[%mul3A_4, %dma_wait3A_816] : memref<128x128xi32, #tpu.memory_space<hbm>> -> memref<4x128xi32, #tpu.memory_space<hbm>>
      tpu.wait_dma2 semaphore(%run_scoped3A : memref<!tpu.dma_semaphore, #tpu.memory_space<semaphore_mem>>) src(%dma_wait3A_817 : memref<4x128xi32, #tpu.memory_space<hbm>>) dst(%arg5 : memref<4x128xi32, #tpu.memory_space<vmem>>)
      tpu.yield
    }) : () -> ()
    %jit3A = arith.constant 8 : i32
    %eq3A = arith.constant 0 : i32
    %eq3A_5 = arith.cmpi eq, %jit3A, %eq3A : i32
    %jit3A_6 = arith.constant 1 : i32
    %select_n3A = arith.select %eq3A_5, %jit3A_6, %jit3A : i32
    %rem3A = arith.remsi %add3A, %select_n3A : i32
    %ne3A = arith.constant 0 : i32
    %ne3A_7 = arith.cmpi ne, %rem3A, %ne3A : i32
    %lt3A = arith.constant 0 : i32
    %lt3A_8 = arith.cmpi slt, %rem3A, %lt3A : i32
    %lt3A_9 = arith.constant 0 : i32
    %lt3A_10 = arith.cmpi slt, %select_n3A, %lt3A_9 : i32
    %ne3A_11 = arith.xori %lt3A_8, %lt3A_10 : i1
    %and3A = arith.andi %ne3A_11, %ne3A_7 : i1
    %add3A_12 = arith.addi %rem3A, %select_n3A : i32
    %select_n3A_13 = arith.select %and3A, %add3A_12, %rem3A : i32
    %mul3A_14 = arith.constant 368 : i32
    %mul3A_15 = arith.muli %select_n3A_13, %mul3A_14 : i32
    %get3A = arith.constant 0 : i32
    %get3A_16 = arith.index_cast %get3A : i32 to index
    %get3A_17 = arith.constant 0 : index
    %get3A_18 = tpu.vector_load %arg5[%get3A_16, %get3A_17] {strides = array<i32>} : memref<4x128xi32, #tpu.memory_space<vmem>>, vector<1x16xi32>,
    %get3A_19 = vector.shape_cast %get3A_18 : vector<1x16xi32> to vector<16xi32>
    %eq3A_20 = arith.constant 0 : i32
    %eq3A_21 = vector.broadcast %eq3A_20 : i32 to vector<16xi32>
    %eq3A_22 = arith.cmpi eq, %get3A_19, %eq3A_21 : vector<16xi32>
    %sub3A = arith.constant 1 : i32
    %sub3A_23 = vector.broadcast %sub3A : i32 to vector<16xi32>
    %sub3A_24 = arith.subi %get3A_19, %sub3A_23 : vector<16xi32>
    %jit3A_25 = arith.constant 365 : i32
    %broadcast_in_dim3A = vector.broadcast %jit3A_25 : i32 to vector<16xi32>
    %select_n3A_26 = arith.select %eq3A_22, %broadcast_in_dim3A, %sub3A_24 : vector<16xi1>, vector<16xi32>
    %add3A_27 = vector.broadcast %mul3A_15 : i32 to vector<16xi32>
    %add3A_28 = arith.addi %select_n3A_26, %add3A_27 : vector<16xi32>
    %swap3A = arith.constant 0 : i32
    %swap3A_29 = arith.index_cast %swap3A : i32 to index
    %swap3A_30 = arith.constant 0 : index
    %swap3A_31 = tpu.vector_load %arg5[%swap3A_29, %swap3A_30] {strides = array<i32>} : memref<4x128xi32, #tpu.memory_space<vmem>>, vector<1x16xi32>,
    %swap3A_32 = vector.shape_cast %swap3A_31 : vector<1x16xi32> to vector<16xi32>
    %swap3A_33 = vector.shape_cast %add3A_28 : vector<16xi32> to vector<1x16xi32>
    tpu.vector_store %arg5[%swap3A_29, %swap3A_30], %swap3A_33 {strides = array<i32>} : memref<4x128xi32, #tpu.memory_space<vmem>>, vector<1x16xi32>,
    %get3A_34 = arith.constant 0 : i32
    %get3A_35 = arith.index_cast %get3A_34 : i32 to index
    %get3A_36 = arith.constant 16 : index
    %get3A_37 = tpu.vector_load %arg5[%get3A_35, %get3A_36] {strides = array<i32>} : memref<4x128xi32, #tpu.memory_space<vmem>>, vector<1x16xi32>,
    %get3A_38 = vector.shape_cast %get3A_37 : vector<1x16xi32> to vector<16xi32>
    %eq3A_39 = arith.constant 0 : i32
    %eq3A_40 = vector.broadcast %eq3A_39 : i32 to vector<16xi32>
    %eq3A_41 = arith.cmpi eq, %get3A_38, %eq3A_40 : vector<16xi32>
    %sub3A_42 = arith.constant 1 : i32
    %sub3A_43 = vector.broadcast %sub3A_42 : i32 to vector<16xi32>
    %sub3A_44 = arith.subi %get3A_38, %sub3A_43 : vector<16xi32>
    %jit3A_45 = arith.constant 365 : i32
    %broadcast_in_dim3A_46 = vector.broadcast %jit3A_45 : i32 to vector<16xi32>
    %select_n3A_47 = arith.select %eq3A_41, %broadcast_in_dim3A_46, %sub3A_44 : vector<16xi1>, vector<16xi32>
    %add3A_48 = vector.broadcast %mul3A_15 : i32 to vector<16xi32>
    %add3A_49 = arith.addi %select_n3A_47, %add3A_48 : vector<16xi32>
    %swap3A_50 = arith.constant 0 : i32
    %swap3A_51 = arith.index_cast %swap3A_50 : i32 to index
    %swap3A_52 = arith.constant 16 : index
    %swap3A_53 = tpu.vector_load %arg5[%swap3A_51, %swap3A_52] {strides = array<i32>} : memref<4x128xi32, #tpu.memory_space<vmem>>, vector<1x16xi32>,
    %swap3A_54 = vector.shape_cast %swap3A_53 : vector<1x16xi32> to vector<16xi32>
    %swap3A_55 = vector.shape_cast %add3A_49 : vector<16xi32> to vector<1x16xi32>
    tpu.vector_store %arg5[%swap3A_51, %swap3A_52], %swap3A_55 {strides = array<i32>} : memref<4x128xi32, #tpu.memory_space<vmem>>, vector<1x16xi32>,
    %get3A_56 = arith.constant 0 : i32
    %get3A_57 = arith.index_cast %get3A_56 : i32 to index
    %get3A_58 = arith.constant 32 : index
    %get3A_59 = tpu.vector_load %arg5[%get3A_57, %get3A_58] {strides = array<i32>} : memref<4x128xi32, #tpu.memory_space<vmem>>, vector<1x16xi32>,
    %get3A_60 = vector.shape_cast %get3A_59 : vector<1x16xi32> to vector<16xi32>
    %eq3A_61 = arith.constant 0 : i32
    %eq3A_62 = vector.broadcast %eq3A_61 : i32 to vector<16xi32>
    %eq3A_63 = arith.cmpi eq, %get3A_60, %eq3A_62 : vector<16xi32>
    %sub3A_64 = arith.constant 1 : i32
    %sub3A_65 = vector.broadcast %sub3A_64 : i32 to vector<16xi32>
    %sub3A_66 = arith.subi %get3A_60, %sub3A_65 : vector<16xi32>
    %jit3A_67 = arith.constant 365 : i32
    %broadcast_in_dim3A_68 = vector.broadcast %jit3A_67 : i32 to vector<16xi32>
    %select_n3A_69 = arith.select %eq3A_63, %broadcast_in_dim3A_68, %sub3A_66 : vector<16xi1>, vector<16xi32>
    %add3A_70 = vector.broadcast %mul3A_15 : i32 to vector<16xi32>
    %add3A_71 = arith.addi %select_n3A_69, %add3A_70 : vector<16xi32>
    %swap3A_72 = arith.constant 0 : i32
    %swap3A_73 = arith.index_cast %swap3A_72 : i32 to index
    %swap3A_74 = arith.constant 32 : index
    %swap3A_75 = tpu.vector_load %arg5[%swap3A_73, %swap3A_74] {strides = array<i32>} : memref<4x128xi32, #tpu.memory_space<vmem>>, vector<1x16xi32>,
    %swap3A_76 = vector.shape_cast %swap3A_75 : vector<1x16xi32> to vector<16xi32>
    %swap3A_77 = vector.shape_cast %add3A_71 : vector<16xi32> to vector<1x16xi32>
    tpu.vector_store %arg5[%swap3A_73, %swap3A_74], %swap3A_77 {strides = array<i32>} : memref<4x128xi32, #tpu.memory_space<vmem>>, vector<1x16xi32>,
    %get3A_78 = arith.constant 0 : i32
    %get3A_79 = arith.index_cast %get3A_78 : i32 to index
    %get3A_80 = arith.constant 48 : index
    %get3A_81 = tpu.vector_load %arg5[%get3A_79, %get3A_80] {strides = array<i32>} : memref<4x128xi32, #tpu.memory_space<vmem>>, vector<1x16xi32>,
    %get3A_82 = vector.shape_cast %get3A_81 : vector<1x16xi32> to vector<16xi32>
    %eq3A_83 = arith.constant 0 : i32
    %eq3A_84 = vector.broadcast %eq3A_83 : i32 to vector<16xi32>
    %eq3A_85 = arith.cmpi eq, %get3A_82, %eq3A_84 : vector<16xi32>
    %sub3A_86 = arith.constant 1 : i32
    %sub3A_87 = vector.broadcast %sub3A_86 : i32 to vector<16xi32>
    %sub3A_88 = arith.subi %get3A_82, %sub3A_87 : vector<16xi32>
    %jit3A_89 = arith.constant 365 : i32
    %broadcast_in_dim3A_90 = vector.broadcast %jit3A_89 : i32 to vector<16xi32>
    %select_n3A_91 = arith.select %eq3A_85, %broadcast_in_dim3A_90, %sub3A_88 : vector<16xi1>, vector<16xi32>
    %add3A_92 = vector.broadcast %mul3A_15 : i32 to vector<16xi32>
    %add3A_93 = arith.addi %select_n3A_91, %add3A_92 : vector<16xi32>
    %swap3A_94 = arith.constant 0 : i32
    %swap3A_95 = arith.index_cast %swap3A_94 : i32 to index
    %swap3A_96 = arith.constant 48 : index
    %swap3A_97 = tpu.vector_load %arg5[%swap3A_95, %swap3A_96] {strides = array<i32>} : memref<4x128xi32, #tpu.memory_space<vmem>>, vector<1x16xi32>,
    %swap3A_98 = vector.shape_cast %swap3A_97 : vector<1x16xi32> to vector<16xi32>
    %swap3A_99 = vector.shape_cast %add3A_93 : vector<16xi32> to vector<1x16xi32>
    tpu.vector_store %arg5[%swap3A_95, %swap3A_96], %swap3A_99 {strides = array<i32>} : memref<4x128xi32, #tpu.memory_space<vmem>>, vector<1x16xi32>,
    %get3A_100 = arith.constant 0 : i32
    %get3A_101 = arith.index_cast %get3A_100 : i32 to index
    %get3A_102 = arith.constant 64 : index
    %get3A_103 = tpu.vector_load %arg5[%get3A_101, %get3A_102] {strides = array<i32>} : memref<4x128xi32, #tpu.memory_space<vmem>>, vector<1x16xi32>,
    %get3A_104 = vector.shape_cast %get3A_103 : vector<1x16xi32> to vector<16xi32>
    %eq3A_105 = arith.constant 0 : i32
    %eq3A_106 = vector.broadcast %eq3A_105 : i32 to vector<16xi32>
    %eq3A_107 = arith.cmpi eq, %get3A_104, %eq3A_106 : vector<16xi32>
    %sub3A_108 = arith.constant 1 : i32
    %sub3A_109 = vector.broadcast %sub3A_108 : i32 to vector<16xi32>
    %sub3A_110 = arith.subi %get3A_104, %sub3A_109 : vector<16xi32>
    %jit3A_111 = arith.constant 365 : i32
    %broadcast_in_dim3A_112 = vector.broadcast %jit3A_111 : i32 to vector<16xi32>
    %select_n3A_113 = arith.select %eq3A_107, %broadcast_in_dim3A_112, %sub3A_110 : vector<16xi1>, vector<16xi32>
    %add3A_114 = vector.broadcast %mul3A_15 : i32 to vector<16xi32>
    %add3A_115 = arith.addi %select_n3A_113, %add3A_114 : vector<16xi32>
    %swap3A_116 = arith.constant 0 : i32
    %swap3A_117 = arith.index_cast %swap3A_116 : i32 to index
    %swap3A_118 = arith.constant 64 : index
    %swap3A_119 = tpu.vector_load %arg5[%swap3A_117, %swap3A_118] {strides = array<i32>} : memref<4x128xi32, #tpu.memory_space<vmem>>, vector<1x16xi32>,
    %swap3A_120 = vector.shape_cast %swap3A_119 : vector<1x16xi32> to vector<16xi32>
    %swap3A_121 = vector.shape_cast %add3A_115 : vector<16xi32> to vector<1x16xi32>
    tpu.vector_store %arg5[%swap3A_117, %swap3A_118], %swap3A_121 {strides = array<i32>} : memref<4x128xi32, #tpu.memory_space<vmem>>, vector<1x16xi32>,
    %get3A_122 = arith.constant 0 : i32
    %get3A_123 = arith.index_cast %get3A_122 : i32 to index
    %get3A_124 = arith.constant 80 : index
    %get3A_125 = tpu.vector_load %arg5[%get3A_123, %get3A_124] {strides = array<i32>} : memref<4x128xi32, #tpu.memory_space<vmem>>, vector<1x16xi32>,
    %get3A_126 = vector.shape_cast %get3A_125 : vector<1x16xi32> to vector<16xi32>
    %eq3A_127 = arith.constant 0 : i32
    %eq3A_128 = vector.broadcast %eq3A_127 : i32 to vector<16xi32>
    %eq3A_129 = arith.cmpi eq, %get3A_126, %eq3A_128 : vector<16xi32>
    %sub3A_130 = arith.constant 1 : i32
    %sub3A_131 = vector.broadcast %sub3A_130 : i32 to vector<16xi32>
    %sub3A_132 = arith.subi %get3A_126, %sub3A_131 : vector<16xi32>
    %jit3A_133 = arith.constant 365 : i32
    %broadcast_in_dim3A_134 = vector.broadcast %jit3A_133 : i32 to vector<16xi32>
    %select_n3A_135 = arith.select %eq3A_129, %broadcast_in_dim3A_134, %sub3A_132 : vector<16xi1>, vector<16xi32>
    %add3A_136 = vector.broadcast %mul3A_15 : i32 to vector<16xi32>
    %add3A_137 = arith.addi %select_n3A_135, %add3A_136 : vector<16xi32>
    %swap3A_138 = arith.constant 0 : i32
    %swap3A_139 = arith.index_cast %swap3A_138 : i32 to index
    %swap3A_140 = arith.constant 80 : index
    %swap3A_141 = tpu.vector_load %arg5[%swap3A_139, %swap3A_140] {strides = array<i32>} : memref<4x128xi32, #tpu.memory_space<vmem>>, vector<1x16xi32>,
    %swap3A_142 = vector.shape_cast %swap3A_141 : vector<1x16xi32> to vector<16xi32>
    %swap3A_143 = vector.shape_cast %add3A_137 : vector<16xi32> to vector<1x16xi32>
    tpu.vector_store %arg5[%swap3A_139, %swap3A_140], %swap3A_143 {strides = array<i32>} : memref<4x128xi32, #tpu.memory_space<vmem>>, vector<1x16xi32>,
    %get3A_144 = arith.constant 0 : i32
    %get3A_145 = arith.index_cast %get3A_144 : i32 to index
    %get3A_146 = arith.constant 96 : index
    %get3A_147 = tpu.vector_load %arg5[%get3A_145, %get3A_146] {strides = array<i32>} : memref<4x128xi32, #tpu.memory_space<vmem>>, vector<1x16xi32>,
    %get3A_148 = vector.shape_cast %get3A_147 : vector<1x16xi32> to vector<16xi32>
    %eq3A_149 = arith.constant 0 : i32
    %eq3A_150 = vector.broadcast %eq3A_149 : i32 to vector<16xi32>
    %eq3A_151 = arith.cmpi eq, %get3A_148, %eq3A_150 : vector<16xi32>
    %sub3A_152 = arith.constant 1 : i32
    %sub3A_153 = vector.broadcast %sub3A_152 : i32 to vector<16xi32>
    %sub3A_154 = arith.subi %get3A_148, %sub3A_153 : vector<16xi32>
    %jit3A_155 = arith.constant 365 : i32
    %broadcast_in_dim3A_156 = vector.broadcast %jit3A_155 : i32 to vector<16xi32>
    %select_n3A_157 = arith.select %eq3A_151, %broadcast_in_dim3A_156, %sub3A_154 : vector<16xi1>, vector<16xi32>
    %add3A_158 = vector.broadcast %mul3A_15 : i32 to vector<16xi32>
    %add3A_159 = arith.addi %select_n3A_157, %add3A_158 : vector<16xi32>
    %swap3A_160 = arith.constant 0 : i32
    %swap3A_161 = arith.index_cast %swap3A_160 : i32 to index
    %swap3A_162 = arith.constant 96 : index
    %swap3A_163 = tpu.vector_load %arg5[%swap3A_161, %swap3A_162] {strides = array<i32>} : memref<4x128xi32, #tpu.memory_space<vmem>>, vector<1x16xi32>,
    %swap3A_164 = vector.shape_cast %swap3A_163 : vector<1x16xi32> to vector<16xi32>
    %swap3A_165 = vector.shape_cast %add3A_159 : vector<16xi32> to vector<1x16xi32>
    tpu.vector_store %arg5[%swap3A_161, %swap3A_162], %swap3A_165 {strides = array<i32>} : memref<4x128xi32, #tpu.memory_space<vmem>>, vector<1x16xi32>,
    %get3A_166 = arith.constant 0 : i32
    %get3A_167 = arith.index_cast %get3A_166 : i32 to index
    %get3A_168 = arith.constant 112 : index
    %get3A_169 = tpu.vector_load %arg5[%get3A_167, %get3A_168] {strides = array<i32>} : memref<4x128xi32, #tpu.memory_space<vmem>>, vector<1x16xi32>,
    %get3A_170 = vector.shape_cast %get3A_169 : vector<1x16xi32> to vector<16xi32>
    %eq3A_171 = arith.constant 0 : i32
    %eq3A_172 = vector.broadcast %eq3A_171 : i32 to vector<16xi32>
    %eq3A_173 = arith.cmpi eq, %get3A_170, %eq3A_172 : vector<16xi32>
    %sub3A_174 = arith.constant 1 : i32
    %sub3A_175 = vector.broadcast %sub3A_174 : i32 to vector<16xi32>
    %sub3A_176 = arith.subi %get3A_170, %sub3A_175 : vector<16xi32>
    %jit3A_177 = arith.constant 365 : i32
    %broadcast_in_dim3A_178 = vector.broadcast %jit3A_177 : i32 to vector<16xi32>
    %select_n3A_179 = arith.select %eq3A_173, %broadcast_in_dim3A_178, %sub3A_176 : vector<16xi1>, vector<16xi32>
    %add3A_180 = vector.broadcast %mul3A_15 : i32 to vector<16xi32>
    %add3A_181 = arith.addi %select_n3A_179, %add3A_180 : vector<16xi32>
    %swap3A_182 = arith.constant 0 : i32
    %swap3A_183 = arith.index_cast %swap3A_182 : i32 to index
    %swap3A_184 = arith.constant 112 : index
    %swap3A_185 = tpu.vector_load %arg5[%swap3A_183, %swap3A_184] {strides = array<i32>} : memref<4x128xi32, #tpu.memory_space<vmem>>, vector<1x16xi32>,
    %swap3A_186 = vector.shape_cast %swap3A_185 : vector<1x16xi32> to vector<16xi32>
    %swap3A_187 = vector.shape_cast %add3A_181 : vector<16xi32> to vector<1x16xi32>
    tpu.vector_store %arg5[%swap3A_183, %swap3A_184], %swap3A_187 {strides = array<i32>} : memref<4x128xi32, #tpu.memory_space<vmem>>, vector<1x16xi32>,
    %dma_start3A = arith.constant 0 : i32
    %dma_start3A_188 = arith.constant 0 : i32
    %dma_start3A_189 = tpu.memref_slice %arg5[%dma_start3A, %dma_start3A_188] : memref<4x128xi32, #tpu.memory_space<vmem>> -> memref<1x128xi32, #tpu.memory_space<vmem>>
    %dma_start3A_190 = tpu.memref_squeeze %dma_start3A_189 : memref<1x128xi32, #tpu.memory_space<vmem>> -> memref<128xi32, #tpu.memory_space<vmem>>
    %dma_start3A_191 = arith.constant 0 : i32
    %dma_start3A_192 = arith.constant 0 : i32
    %dma_start3A_193 = tpu.memref_slice %arg3[%dma_start3A_191, %dma_start3A_192] : memref<2944x256xf32, #tpu.memory_space<hbm>> -> memref<2944x256xf32, #tpu.memory_space<hbm>>
    tpu.enqueue_indirect_dma source(%dma_start3A_193 : memref<2944x256xf32, #tpu.memory_space<hbm>>) target(%arg6 : memref<128x256xf32, #tpu.memory_space<vmem>>) offsets(%dma_start3A_190 : memref<128xi32, #tpu.memory_space<vmem>>) semaphore(%arg9 : memref<!tpu.dma_semaphore, #tpu.memory_space<semaphore_mem>>)
    %get3A_194 = arith.constant 1 : i32
    %get3A_195 = arith.index_cast %get3A_194 : i32 to index
    %get3A_196 = arith.constant 0 : index
    %get3A_197 = tpu.vector_load %arg5[%get3A_195, %get3A_196] {strides = array<i32>} : memref<4x128xi32, #tpu.memory_space<vmem>>, vector<1x16xi32>,
    %get3A_198 = vector.shape_cast %get3A_197 : vector<1x16xi32> to vector<16xi32>
    %eq3A_199 = arith.constant 0 : i32
    %eq3A_200 = vector.broadcast %eq3A_199 : i32 to vector<16xi32>
    %eq3A_201 = arith.cmpi eq, %get3A_198, %eq3A_200 : vector<16xi32>
    %sub3A_202 = arith.constant 1 : i32
    %sub3A_203 = vector.broadcast %sub3A_202 : i32 to vector<16xi32>
    %sub3A_204 = arith.subi %get3A_198, %sub3A_203 : vector<16xi32>
    %jit3A_205 = arith.constant 365 : i32
    %broadcast_in_dim3A_206 = vector.broadcast %jit3A_205 : i32 to vector<16xi32>
    %select_n3A_207 = arith.select %eq3A_201, %broadcast_in_dim3A_206, %sub3A_204 : vector<16xi1>, vector<16xi32>
    %add3A_208 = vector.broadcast %mul3A_15 : i32 to vector<16xi32>
    %add3A_209 = arith.addi %select_n3A_207, %add3A_208 : vector<16xi32>
    %swap3A_210 = arith.constant 1 : i32
    %swap3A_211 = arith.index_cast %swap3A_210 : i32 to index
    %swap3A_212 = arith.constant 0 : index
    %swap3A_213 = tpu.vector_load %arg5[%swap3A_211, %swap3A_212] {strides = array<i32>} : memref<4x128xi32, #tpu.memory_space<vmem>>, vector<1x16xi32>,
    %swap3A_214 = vector.shape_cast %swap3A_213 : vector<1x16xi32> to vector<16xi32>
    %swap3A_215 = vector.shape_cast %add3A_209 : vector<16xi32> to vector<1x16xi32>
    tpu.vector_store %arg5[%swap3A_211, %swap3A_212], %swap3A_215 {strides = array<i32>} : memref<4x128xi32, #tpu.memory_space<vmem>>, vector<1x16xi32>,
    %get3A_216 = arith.constant 1 : i32
    %get3A_217 = arith.index_cast %get3A_216 : i32 to index
    %get3A_218 = arith.constant 16 : index
    %get3A_219 = tpu.vector_load %arg5[%get3A_217, %get3A_218] {strides = array<i32>} : memref<4x128xi32, #tpu.memory_space<vmem>>, vector<1x16xi32>,
    %get3A_220 = vector.shape_cast %get3A_219 : vector<1x16xi32> to vector<16xi32>
    %eq3A_221 = arith.constant 0 : i32
    %eq3A_222 = vector.broadcast %eq3A_221 : i32 to vector<16xi32>
    %eq3A_223 = arith.cmpi eq, %get3A_220, %eq3A_222 : vector<16xi32>
    %sub3A_224 = arith.constant 1 : i32
    %sub3A_225 = vector.broadcast %sub3A_224 : i32 to vector<16xi32>
    %sub3A_226 = arith.subi %get3A_220, %sub3A_225 : vector<16xi32>
    %jit3A_227 = arith.constant 365 : i32
    %broadcast_in_dim3A_228 = vector.broadcast %jit3A_227 : i32 to vector<16xi32>
    %select_n3A_229 = arith.select %eq3A_223, %broadcast_in_dim3A_228, %sub3A_226 : vector<16xi1>, vector<16xi32>
    %add3A_230 = vector.broadcast %mul3A_15 : i32 to vector<16xi32>
    %add3A_231 = arith.addi %select_n3A_229, %add3A_230 : vector<16xi32>
    %swap3A_232 = arith.constant 1 : i32
    %swap3A_233 = arith.index_cast %swap3A_232 : i32 to index
    %swap3A_234 = arith.constant 16 : index
    %swap3A_235 = tpu.vector_load %arg5[%swap3A_233, %swap3A_234] {strides = array<i32>} : memref<4x128xi32, #tpu.memory_space<vmem>>, vector<1x16xi32>,
    %swap3A_236 = vector.shape_cast %swap3A_235 : vector<1x16xi32> to vector<16xi32>
    %swap3A_237 = vector.shape_cast %add3A_231 : vector<16xi32> to vector<1x16xi32>
    tpu.vector_store %arg5[%swap3A_233, %swap3A_234], %swap3A_237 {strides = array<i32>} : memref<4x128xi32, #tpu.memory_space<vmem>>, vector<1x16xi32>,
    %get3A_238 = arith.constant 1 : i32
    %get3A_239 = arith.index_cast %get3A_238 : i32 to index
    %get3A_240 = arith.constant 32 : index
    %get3A_241 = tpu.vector_load %arg5[%get3A_239, %get3A_240] {strides = array<i32>} : memref<4x128xi32, #tpu.memory_space<vmem>>, vector<1x16xi32>,
    %get3A_242 = vector.shape_cast %get3A_241 : vector<1x16xi32> to vector<16xi32>
    %eq3A_243 = arith.constant 0 : i32
    %eq3A_244 = vector.broadcast %eq3A_243 : i32 to vector<16xi32>
    %eq3A_245 = arith.cmpi eq, %get3A_242, %eq3A_244 : vector<16xi32>
    %sub3A_246 = arith.constant 1 : i32
    %sub3A_247 = vector.broadcast %sub3A_246 : i32 to vector<16xi32>
    %sub3A_248 = arith.subi %get3A_242, %sub3A_247 : vector<16xi32>
    %jit3A_249 = arith.constant 365 : i32
    %broadcast_in_dim3A_250 = vector.broadcast %jit3A_249 : i32 to vector<16xi32>
    %select_n3A_251 = arith.select %eq3A_245, %broadcast_in_dim3A_250, %sub3A_248 : vector<16xi1>, vector<16xi32>
    %add3A_252 = vector.broadcast %mul3A_15 : i32 to vector<16xi32>
    %add3A_253 = arith.addi %select_n3A_251, %add3A_252 : vector<16xi32>
    %swap3A_254 = arith.constant 1 : i32
    %swap3A_255 = arith.index_cast %swap3A_254 : i32 to index
    %swap3A_256 = arith.constant 32 : index
    %swap3A_257 = tpu.vector_load %arg5[%swap3A_255, %swap3A_256] {strides = array<i32>} : memref<4x128xi32, #tpu.memory_space<vmem>>, vector<1x16xi32>,
    %swap3A_258 = vector.shape_cast %swap3A_257 : vector<1x16xi32> to vector<16xi32>
    %swap3A_259 = vector.shape_cast %add3A_253 : vector<16xi32> to vector<1x16xi32>
    tpu.vector_store %arg5[%swap3A_255, %swap3A_256], %swap3A_259 {strides = array<i32>} : memref<4x128xi32, #tpu.memory_space<vmem>>, vector<1x16xi32>,
    %get3A_260 = arith.constant 1 : i32
    %get3A_261 = arith.index_cast %get3A_260 : i32 to index
    %get3A_262 = arith.constant 48 : index
    %get3A_263 = tpu.vector_load %arg5[%get3A_261, %get3A_262] {strides = array<i32>} : memref<4x128xi32, #tpu.memory_space<vmem>>, vector<1x16xi32>,
    %get3A_264 = vector.shape_cast %get3A_263 : vector<1x16xi32> to vector<16xi32>
    %eq3A_265 = arith.constant 0 : i32
    %eq3A_266 = vector.broadcast %eq3A_265 : i32 to vector<16xi32>
    %eq3A_267 = arith.cmpi eq, %get3A_264, %eq3A_266 : vector<16xi32>
    %sub3A_268 = arith.constant 1 : i32
    %sub3A_269 = vector.broadcast %sub3A_268 : i32 to vector<16xi32>
    %sub3A_270 = arith.subi %get3A_264, %sub3A_269 : vector<16xi32>
    %jit3A_271 = arith.constant 365 : i32
    %broadcast_in_dim3A_272 = vector.broadcast %jit3A_271 : i32 to vector<16xi32>
    %select_n3A_273 = arith.select %eq3A_267, %broadcast_in_dim3A_272, %sub3A_270 : vector<16xi1>, vector<16xi32>
    %add3A_274 = vector.broadcast %mul3A_15 : i32 to vector<16xi32>
    %add3A_275 = arith.addi %select_n3A_273, %add3A_274 : vector<16xi32>
    %swap3A_276 = arith.constant 1 : i32
    %swap3A_277 = arith.index_cast %swap3A_276 : i32 to index
    %swap3A_278 = arith.constant 48 : index
    %swap3A_279 = tpu.vector_load %arg5[%swap3A_277, %swap3A_278] {strides = array<i32>} : memref<4x128xi32, #tpu.memory_space<vmem>>, vector<1x16xi32>,
    %swap3A_280 = vector.shape_cast %swap3A_279 : vector<1x16xi32> to vector<16xi32>
    %swap3A_281 = vector.shape_cast %add3A_275 : vector<16xi32> to vector<1x16xi32>
    tpu.vector_store %arg5[%swap3A_277, %swap3A_278], %swap3A_281 {strides = array<i32>} : memref<4x128xi32, #tpu.memory_space<vmem>>, vector<1x16xi32>,
    %get3A_282 = arith.constant 1 : i32
    %get3A_283 = arith.index_cast %get3A_282 : i32 to index
    %get3A_284 = arith.constant 64 : index
    %get3A_285 = tpu.vector_load %arg5[%get3A_283, %get3A_284] {strides = array<i32>} : memref<4x128xi32, #tpu.memory_space<vmem>>, vector<1x16xi32>,
    %get3A_286 = vector.shape_cast %get3A_285 : vector<1x16xi32> to vector<16xi32>
    %eq3A_287 = arith.constant 0 : i32
    %eq3A_288 = vector.broadcast %eq3A_287 : i32 to vector<16xi32>
    %eq3A_289 = arith.cmpi eq, %get3A_286, %eq3A_288 : vector<16xi32>
    %sub3A_290 = arith.constant 1 : i32
    %sub3A_291 = vector.broadcast %sub3A_290 : i32 to vector<16xi32>
    %sub3A_292 = arith.subi %get3A_286, %sub3A_291 : vector<16xi32>
    %jit3A_293 = arith.constant 365 : i32
    %broadcast_in_dim3A_294 = vector.broadcast %jit3A_293 : i32 to vector<16xi32>
    %select_n3A_295 = arith.select %eq3A_289, %broadcast_in_dim3A_294, %sub3A_292 : vector<16xi1>, vector<16xi32>
    %add3A_296 = vector.broadcast %mul3A_15 : i32 to vector<16xi32>
    %add3A_297 = arith.addi %select_n3A_295, %add3A_296 : vector<16xi32>
    %swap3A_298 = arith.constant 1 : i32
    %swap3A_299 = arith.index_cast %swap3A_298 : i32 to index
    %swap3A_300 = arith.constant 64 : index
    %swap3A_301 = tpu.vector_load %arg5[%swap3A_299, %swap3A_300] {strides = array<i32>} : memref<4x128xi32, #tpu.memory_space<vmem>>, vector<1x16xi32>,
    %swap3A_302 = vector.shape_cast %swap3A_301 : vector<1x16xi32> to vector<16xi32>
    %swap3A_303 = vector.shape_cast %add3A_297 : vector<16xi32> to vector<1x16xi32>
    tpu.vector_store %arg5[%swap3A_299, %swap3A_300], %swap3A_303 {strides = array<i32>} : memref<4x128xi32, #tpu.memory_space<vmem>>, vector<1x16xi32>,
    %get3A_304 = arith.constant 1 : i32
    %get3A_305 = arith.index_cast %get3A_304 : i32 to index
    %get3A_306 = arith.constant 80 : index
    %get3A_307 = tpu.vector_load %arg5[%get3A_305, %get3A_306] {strides = array<i32>} : memref<4x128xi32, #tpu.memory_space<vmem>>, vector<1x16xi32>,
    %get3A_308 = vector.shape_cast %get3A_307 : vector<1x16xi32> to vector<16xi32>
    %eq3A_309 = arith.constant 0 : i32
    %eq3A_310 = vector.broadcast %eq3A_309 : i32 to vector<16xi32>
    %eq3A_311 = arith.cmpi eq, %get3A_308, %eq3A_310 : vector<16xi32>
    %sub3A_312 = arith.constant 1 : i32
    %sub3A_313 = vector.broadcast %sub3A_312 : i32 to vector<16xi32>
    %sub3A_314 = arith.subi %get3A_308, %sub3A_313 : vector<16xi32>
    %jit3A_315 = arith.constant 365 : i32
    %broadcast_in_dim3A_316 = vector.broadcast %jit3A_315 : i32 to vector<16xi32>
    %select_n3A_317 = arith.select %eq3A_311, %broadcast_in_dim3A_316, %sub3A_314 : vector<16xi1>, vector<16xi32>
    %add3A_318 = vector.broadcast %mul3A_15 : i32 to vector<16xi32>
    %add3A_319 = arith.addi %select_n3A_317, %add3A_318 : vector<16xi32>
    %swap3A_320 = arith.constant 1 : i32
    %swap3A_321 = arith.index_cast %swap3A_320 : i32 to index
    %swap3A_322 = arith.constant 80 : index
    %swap3A_323 = tpu.vector_load %arg5[%swap3A_321, %swap3A_322] {strides = array<i32>} : memref<4x128xi32, #tpu.memory_space<vmem>>, vector<1x16xi32>,
    %swap3A_324 = vector.shape_cast %swap3A_323 : vector<1x16xi32> to vector<16xi32>
    %swap3A_325 = vector.shape_cast %add3A_319 : vector<16xi32> to vector<1x16xi32>
    tpu.vector_store %arg5[%swap3A_321, %swap3A_322], %swap3A_325 {strides = array<i32>} : memref<4x128xi32, #tpu.memory_space<vmem>>, vector<1x16xi32>,
    %get3A_326 = arith.constant 1 : i32
    %get3A_327 = arith.index_cast %get3A_326 : i32 to index
    %get3A_328 = arith.constant 96 : index
    %get3A_329 = tpu.vector_load %arg5[%get3A_327, %get3A_328] {strides = array<i32>} : memref<4x128xi32, #tpu.memory_space<vmem>>, vector<1x16xi32>,
    %get3A_330 = vector.shape_cast %get3A_329 : vector<1x16xi32> to vector<16xi32>
    %eq3A_331 = arith.constant 0 : i32
    %eq3A_332 = vector.broadcast %eq3A_331 : i32 to vector<16xi32>
    %eq3A_333 = arith.cmpi eq, %get3A_330, %eq3A_332 : vector<16xi32>
    %sub3A_334 = arith.constant 1 : i32
    %sub3A_335 = vector.broadcast %sub3A_334 : i32 to vector<16xi32>
    %sub3A_336 = arith.subi %get3A_330, %sub3A_335 : vector<16xi32>
    %jit3A_337 = arith.constant 365 : i32
    %broadcast_in_dim3A_338 = vector.broadcast %jit3A_337 : i32 to vector<16xi32>
    %select_n3A_339 = arith.select %eq3A_333, %broadcast_in_dim3A_338, %sub3A_336 : vector<16xi1>, vector<16xi32>
    %add3A_340 = vector.broadcast %mul3A_15 : i32 to vector<16xi32>
    %add3A_341 = arith.addi %select_n3A_339, %add3A_340 : vector<16xi32>
    %swap3A_342 = arith.constant 1 : i32
    %swap3A_343 = arith.index_cast %swap3A_342 : i32 to index
    %swap3A_344 = arith.constant 96 : index
    %swap3A_345 = tpu.vector_load %arg5[%swap3A_343, %swap3A_344] {strides = array<i32>} : memref<4x128xi32, #tpu.memory_space<vmem>>, vector<1x16xi32>,
    %swap3A_346 = vector.shape_cast %swap3A_345 : vector<1x16xi32> to vector<16xi32>
    %swap3A_347 = vector.shape_cast %add3A_341 : vector<16xi32> to vector<1x16xi32>
    tpu.vector_store %arg5[%swap3A_343, %swap3A_344], %swap3A_347 {strides = array<i32>} : memref<4x128xi32, #tpu.memory_space<vmem>>, vector<1x16xi32>,
    %get3A_348 = arith.constant 1 : i32
    %get3A_349 = arith.index_cast %get3A_348 : i32 to index
    %get3A_350 = arith.constant 112 : index
    %get3A_351 = tpu.vector_load %arg5[%get3A_349, %get3A_350] {strides = array<i32>} : memref<4x128xi32, #tpu.memory_space<vmem>>, vector<1x16xi32>,
    %get3A_352 = vector.shape_cast %get3A_351 : vector<1x16xi32> to vector<16xi32>
    %eq3A_353 = arith.constant 0 : i32
    %eq3A_354 = vector.broadcast %eq3A_353 : i32 to vector<16xi32>
    %eq3A_355 = arith.cmpi eq, %get3A_352, %eq3A_354 : vector<16xi32>
    %sub3A_356 = arith.constant 1 : i32
    %sub3A_357 = vector.broadcast %sub3A_356 : i32 to vector<16xi32>
    %sub3A_358 = arith.subi %get3A_352, %sub3A_357 : vector<16xi32>
    %jit3A_359 = arith.constant 365 : i32
    %broadcast_in_dim3A_360 = vector.broadcast %jit3A_359 : i32 to vector<16xi32>
    %select_n3A_361 = arith.select %eq3A_355, %broadcast_in_dim3A_360, %sub3A_358 : vector<16xi1>, vector<16xi32>
    %add3A_362 = vector.broadcast %mul3A_15 : i32 to vector<16xi32>
    %add3A_363 = arith.addi %select_n3A_361, %add3A_362 : vector<16xi32>
    %swap3A_364 = arith.constant 1 : i32
    %swap3A_365 = arith.index_cast %swap3A_364 : i32 to index
    %swap3A_366 = arith.constant 112 : index
    %swap3A_367 = tpu.vector_load %arg5[%swap3A_365, %swap3A_366] {strides = array<i32>} : memref<4x128xi32, #tpu.memory_space<vmem>>, vector<1x16xi32>,
    %swap3A_368 = vector.shape_cast %swap3A_367 : vector<1x16xi32> to vector<16xi32>
    %swap3A_369 = vector.shape_cast %add3A_363 : vector<16xi32> to vector<1x16xi32>
    tpu.vector_store %arg5[%swap3A_365, %swap3A_366], %swap3A_369 {strides = array<i32>} : memref<4x128xi32, #tpu.memory_space<vmem>>, vector<1x16xi32>,
    %dma_start3A_370 = arith.constant 1 : i32
    %dma_start3A_371 = arith.constant 0 : i32
    %dma_start3A_372 = tpu.memref_slice %arg5[%dma_start3A_370, %dma_start3A_371] : memref<4x128xi32, #tpu.memory_space<vmem>> -> memref<1x128xi32, #tpu.memory_space<vmem>>
    %dma_start3A_373 = tpu.memref_squeeze %dma_start3A_372 : memref<1x128xi32, #tpu.memory_space<vmem>> -> memref<128xi32, #tpu.memory_space<vmem>>
    %dma_start3A_374 = arith.constant 0 : i32
    %dma_start3A_375 = arith.constant 0 : i32
    %dma_start3A_376 = tpu.memref_slice %arg3[%dma_start3A_374, %dma_start3A_375] : memref<2944x256xf32, #tpu.memory_space<hbm>> -> memref<2944x256xf32, #tpu.memory_space<hbm>>
    tpu.enqueue_indirect_dma source(%dma_start3A_376 : memref<2944x256xf32, #tpu.memory_space<hbm>>) target(%arg7 : memref<128x256xf32, #tpu.memory_space<vmem>>) offsets(%dma_start3A_373 : memref<128xi32, #tpu.memory_space<vmem>>) semaphore(%arg10 : memref<!tpu.dma_semaphore, #tpu.memory_space<semaphore_mem>>)
    %get3A_377 = arith.constant 2 : i32
    %get3A_378 = arith.index_cast %get3A_377 : i32 to index
    %get3A_379 = arith.constant 0 : index
    %get3A_380 = tpu.vector_load %arg5[%get3A_378, %get3A_379] {strides = array<i32>} : memref<4x128xi32, #tpu.memory_space<vmem>>, vector<1x16xi32>,
    %get3A_381 = vector.shape_cast %get3A_380 : vector<1x16xi32> to vector<16xi32>
    %eq3A_382 = arith.constant 0 : i32
    %eq3A_383 = vector.broadcast %eq3A_382 : i32 to vector<16xi32>
    %eq3A_384 = arith.cmpi eq, %get3A_381, %eq3A_383 : vector<16xi32>
    %sub3A_385 = arith.constant 1 : i32
    %sub3A_386 = vector.broadcast %sub3A_385 : i32 to vector<16xi32>
    %sub3A_387 = arith.subi %get3A_381, %sub3A_386 : vector<16xi32>
    %jit3A_388 = arith.constant 365 : i32
    %broadcast_in_dim3A_389 = vector.broadcast %jit3A_388 : i32 to vector<16xi32>
    %select_n3A_390 = arith.select %eq3A_384, %broadcast_in_dim3A_389, %sub3A_387 : vector<16xi1>, vector<16xi32>
    %add3A_391 = vector.broadcast %mul3A_15 : i32 to vector<16xi32>
    %add3A_392 = arith.addi %select_n3A_390, %add3A_391 : vector<16xi32>
    %swap3A_393 = arith.constant 2 : i32
    %swap3A_394 = arith.index_cast %swap3A_393 : i32 to index
    %swap3A_395 = arith.constant 0 : index
    %swap3A_396 = tpu.vector_load %arg5[%swap3A_394, %swap3A_395] {strides = array<i32>} : memref<4x128xi32, #tpu.memory_space<vmem>>, vector<1x16xi32>,
    %swap3A_397 = vector.shape_cast %swap3A_396 : vector<1x16xi32> to vector<16xi32>
    %swap3A_398 = vector.shape_cast %add3A_392 : vector<16xi32> to vector<1x16xi32>
    tpu.vector_store %arg5[%swap3A_394, %swap3A_395], %swap3A_398 {strides = array<i32>} : memref<4x128xi32, #tpu.memory_space<vmem>>, vector<1x16xi32>,
    %get3A_399 = arith.constant 2 : i32
    %get3A_400 = arith.index_cast %get3A_399 : i32 to index
    %get3A_401 = arith.constant 16 : index
    %get3A_402 = tpu.vector_load %arg5[%get3A_400, %get3A_401] {strides = array<i32>} : memref<4x128xi32, #tpu.memory_space<vmem>>, vector<1x16xi32>,
    %get3A_403 = vector.shape_cast %get3A_402 : vector<1x16xi32> to vector<16xi32>
    %eq3A_404 = arith.constant 0 : i32
    %eq3A_405 = vector.broadcast %eq3A_404 : i32 to vector<16xi32>
    %eq3A_406 = arith.cmpi eq, %get3A_403, %eq3A_405 : vector<16xi32>
    %sub3A_407 = arith.constant 1 : i32
    %sub3A_408 = vector.broadcast %sub3A_407 : i32 to vector<16xi32>
    %sub3A_409 = arith.subi %get3A_403, %sub3A_408 : vector<16xi32>
    %jit3A_410 = arith.constant 365 : i32
    %broadcast_in_dim3A_411 = vector.broadcast %jit3A_410 : i32 to vector<16xi32>
    %select_n3A_412 = arith.select %eq3A_406, %broadcast_in_dim3A_411, %sub3A_409 : vector<16xi1>, vector<16xi32>
    %add3A_413 = vector.broadcast %mul3A_15 : i32 to vector<16xi32>
    %add3A_414 = arith.addi %select_n3A_412, %add3A_413 : vector<16xi32>
    %swap3A_415 = arith.constant 2 : i32
    %swap3A_416 = arith.index_cast %swap3A_415 : i32 to index
    %swap3A_417 = arith.constant 16 : index
    %swap3A_418 = tpu.vector_load %arg5[%swap3A_416, %swap3A_417] {strides = array<i32>} : memref<4x128xi32, #tpu.memory_space<vmem>>, vector<1x16xi32>,
    %swap3A_419 = vector.shape_cast %swap3A_418 : vector<1x16xi32> to vector<16xi32>
    %swap3A_420 = vector.shape_cast %add3A_414 : vector<16xi32> to vector<1x16xi32>
    tpu.vector_store %arg5[%swap3A_416, %swap3A_417], %swap3A_420 {strides = array<i32>} : memref<4x128xi32, #tpu.memory_space<vmem>>, vector<1x16xi32>,
    %get3A_421 = arith.constant 2 : i32
    %get3A_422 = arith.index_cast %get3A_421 : i32 to index
    %get3A_423 = arith.constant 32 : index
    %get3A_424 = tpu.vector_load %arg5[%get3A_422, %get3A_423] {strides = array<i32>} : memref<4x128xi32, #tpu.memory_space<vmem>>, vector<1x16xi32>,
    %get3A_425 = vector.shape_cast %get3A_424 : vector<1x16xi32> to vector<16xi32>
    %eq3A_426 = arith.constant 0 : i32
    %eq3A_427 = vector.broadcast %eq3A_426 : i32 to vector<16xi32>
    %eq3A_428 = arith.cmpi eq, %get3A_425, %eq3A_427 : vector<16xi32>
    %sub3A_429 = arith.constant 1 : i32
    %sub3A_430 = vector.broadcast %sub3A_429 : i32 to vector<16xi32>
    %sub3A_431 = arith.subi %get3A_425, %sub3A_430 : vector<16xi32>
    %jit3A_432 = arith.constant 365 : i32
    %broadcast_in_dim3A_433 = vector.broadcast %jit3A_432 : i32 to vector<16xi32>
    %select_n3A_434 = arith.select %eq3A_428, %broadcast_in_dim3A_433, %sub3A_431 : vector<16xi1>, vector<16xi32>
    %add3A_435 = vector.broadcast %mul3A_15 : i32 to vector<16xi32>
    %add3A_436 = arith.addi %select_n3A_434, %add3A_435 : vector<16xi32>
    %swap3A_437 = arith.constant 2 : i32
    %swap3A_438 = arith.index_cast %swap3A_437 : i32 to index
    %swap3A_439 = arith.constant 32 : index
    %swap3A_440 = tpu.vector_load %arg5[%swap3A_438, %swap3A_439] {strides = array<i32>} : memref<4x128xi32, #tpu.memory_space<vmem>>, vector<1x16xi32>,
    %swap3A_441 = vector.shape_cast %swap3A_440 : vector<1x16xi32> to vector<16xi32>
    %swap3A_442 = vector.shape_cast %add3A_436 : vector<16xi32> to vector<1x16xi32>
    tpu.vector_store %arg5[%swap3A_438, %swap3A_439], %swap3A_442 {strides = array<i32>} : memref<4x128xi32, #tpu.memory_space<vmem>>, vector<1x16xi32>,
    %get3A_443 = arith.constant 2 : i32
    %get3A_444 = arith.index_cast %get3A_443 : i32 to index
    %get3A_445 = arith.constant 48 : index
    %get3A_446 = tpu.vector_load %arg5[%get3A_444, %get3A_445] {strides = array<i32>} : memref<4x128xi32, #tpu.memory_space<vmem>>, vector<1x16xi32>,
    %get3A_447 = vector.shape_cast %get3A_446 : vector<1x16xi32> to vector<16xi32>
    %eq3A_448 = arith.constant 0 : i32
    %eq3A_449 = vector.broadcast %eq3A_448 : i32 to vector<16xi32>
    %eq3A_450 = arith.cmpi eq, %get3A_447, %eq3A_449 : vector<16xi32>
    %sub3A_451 = arith.constant 1 : i32
    %sub3A_452 = vector.broadcast %sub3A_451 : i32 to vector<16xi32>
    %sub3A_453 = arith.subi %get3A_447, %sub3A_452 : vector<16xi32>
    %jit3A_454 = arith.constant 365 : i32
    %broadcast_in_dim3A_455 = vector.broadcast %jit3A_454 : i32 to vector<16xi32>
    %select_n3A_456 = arith.select %eq3A_450, %broadcast_in_dim3A_455, %sub3A_453 : vector<16xi1>, vector<16xi32>
    %add3A_457 = vector.broadcast %mul3A_15 : i32 to vector<16xi32>
    %add3A_458 = arith.addi %select_n3A_456, %add3A_457 : vector<16xi32>
    %swap3A_459 = arith.constant 2 : i32
    %swap3A_460 = arith.index_cast %swap3A_459 : i32 to index
    %swap3A_461 = arith.constant 48 : index
    %swap3A_462 = tpu.vector_load %arg5[%swap3A_460, %swap3A_461] {strides = array<i32>} : memref<4x128xi32, #tpu.memory_space<vmem>>, vector<1x16xi32>,
    %swap3A_463 = vector.shape_cast %swap3A_462 : vector<1x16xi32> to vector<16xi32>
    %swap3A_464 = vector.shape_cast %add3A_458 : vector<16xi32> to vector<1x16xi32>
    tpu.vector_store %arg5[%swap3A_460, %swap3A_461], %swap3A_464 {strides = array<i32>} : memref<4x128xi32, #tpu.memory_space<vmem>>, vector<1x16xi32>,
    %get3A_465 = arith.constant 2 : i32
    %get3A_466 = arith.index_cast %get3A_465 : i32 to index
    %get3A_467 = arith.constant 64 : index
    %get3A_468 = tpu.vector_load %arg5[%get3A_466, %get3A_467] {strides = array<i32>} : memref<4x128xi32, #tpu.memory_space<vmem>>, vector<1x16xi32>,
    %get3A_469 = vector.shape_cast %get3A_468 : vector<1x16xi32> to vector<16xi32>
    %eq3A_470 = arith.constant 0 : i32
    %eq3A_471 = vector.broadcast %eq3A_470 : i32 to vector<16xi32>
    %eq3A_472 = arith.cmpi eq, %get3A_469, %eq3A_471 : vector<16xi32>
    %sub3A_473 = arith.constant 1 : i32
    %sub3A_474 = vector.broadcast %sub3A_473 : i32 to vector<16xi32>
    %sub3A_475 = arith.subi %get3A_469, %sub3A_474 : vector<16xi32>
    %jit3A_476 = arith.constant 365 : i32
    %broadcast_in_dim3A_477 = vector.broadcast %jit3A_476 : i32 to vector<16xi32>
    %select_n3A_478 = arith.select %eq3A_472, %broadcast_in_dim3A_477, %sub3A_475 : vector<16xi1>, vector<16xi32>
    %add3A_479 = vector.broadcast %mul3A_15 : i32 to vector<16xi32>
    %add3A_480 = arith.addi %select_n3A_478, %add3A_479 : vector<16xi32>
    %swap3A_481 = arith.constant 2 : i32
    %swap3A_482 = arith.index_cast %swap3A_481 : i32 to index
    %swap3A_483 = arith.constant 64 : index
    %swap3A_484 = tpu.vector_load %arg5[%swap3A_482, %swap3A_483] {strides = array<i32>} : memref<4x128xi32, #tpu.memory_space<vmem>>, vector<1x16xi32>,
    %swap3A_485 = vector.shape_cast %swap3A_484 : vector<1x16xi32> to vector<16xi32>
    %swap3A_486 = vector.shape_cast %add3A_480 : vector<16xi32> to vector<1x16xi32>
    tpu.vector_store %arg5[%swap3A_482, %swap3A_483], %swap3A_486 {strides = array<i32>} : memref<4x128xi32, #tpu.memory_space<vmem>>, vector<1x16xi32>,
    %get3A_487 = arith.constant 2 : i32
    %get3A_488 = arith.index_cast %get3A_487 : i32 to index
    %get3A_489 = arith.constant 80 : index
    %get3A_490 = tpu.vector_load %arg5[%get3A_488, %get3A_489] {strides = array<i32>} : memref<4x128xi32, #tpu.memory_space<vmem>>, vector<1x16xi32>,
    %get3A_491 = vector.shape_cast %get3A_490 : vector<1x16xi32> to vector<16xi32>
    %eq3A_492 = arith.constant 0 : i32
    %eq3A_493 = vector.broadcast %eq3A_492 : i32 to vector<16xi32>
    %eq3A_494 = arith.cmpi eq, %get3A_491, %eq3A_493 : vector<16xi32>
    %sub3A_495 = arith.constant 1 : i32
    %sub3A_496 = vector.broadcast %sub3A_495 : i32 to vector<16xi32>
    %sub3A_497 = arith.subi %get3A_491, %sub3A_496 : vector<16xi32>
    %jit3A_498 = arith.constant 365 : i32
    %broadcast_in_dim3A_499 = vector.broadcast %jit3A_498 : i32 to vector<16xi32>
    %select_n3A_500 = arith.select %eq3A_494, %broadcast_in_dim3A_499, %sub3A_497 : vector<16xi1>, vector<16xi32>
    %add3A_501 = vector.broadcast %mul3A_15 : i32 to vector<16xi32>
    %add3A_502 = arith.addi %select_n3A_500, %add3A_501 : vector<16xi32>
    %swap3A_503 = arith.constant 2 : i32
    %swap3A_504 = arith.index_cast %swap3A_503 : i32 to index
    %swap3A_505 = arith.constant 80 : index
    %swap3A_506 = tpu.vector_load %arg5[%swap3A_504, %swap3A_505] {strides = array<i32>} : memref<4x128xi32, #tpu.memory_space<vmem>>, vector<1x16xi32>,
    %swap3A_507 = vector.shape_cast %swap3A_506 : vector<1x16xi32> to vector<16xi32>
    %swap3A_508 = vector.shape_cast %add3A_502 : vector<16xi32> to vector<1x16xi32>
    tpu.vector_store %arg5[%swap3A_504, %swap3A_505], %swap3A_508 {strides = array<i32>} : memref<4x128xi32, #tpu.memory_space<vmem>>, vector<1x16xi32>,
    %get3A_509 = arith.constant 2 : i32
    %get3A_510 = arith.index_cast %get3A_509 : i32 to index
    %get3A_511 = arith.constant 96 : index
    %get3A_512 = tpu.vector_load %arg5[%get3A_510, %get3A_511] {strides = array<i32>} : memref<4x128xi32, #tpu.memory_space<vmem>>, vector<1x16xi32>,
    %get3A_513 = vector.shape_cast %get3A_512 : vector<1x16xi32> to vector<16xi32>
    %eq3A_514 = arith.constant 0 : i32
    %eq3A_515 = vector.broadcast %eq3A_514 : i32 to vector<16xi32>
    %eq3A_516 = arith.cmpi eq, %get3A_513, %eq3A_515 : vector<16xi32>
    %sub3A_517 = arith.constant 1 : i32
    %sub3A_518 = vector.broadcast %sub3A_517 : i32 to vector<16xi32>
    %sub3A_519 = arith.subi %get3A_513, %sub3A_518 : vector<16xi32>
    %jit3A_520 = arith.constant 365 : i32
    %broadcast_in_dim3A_521 = vector.broadcast %jit3A_520 : i32 to vector<16xi32>
    %select_n3A_522 = arith.select %eq3A_516, %broadcast_in_dim3A_521, %sub3A_519 : vector<16xi1>, vector<16xi32>
    %add3A_523 = vector.broadcast %mul3A_15 : i32 to vector<16xi32>
    %add3A_524 = arith.addi %select_n3A_522, %add3A_523 : vector<16xi32>
    %swap3A_525 = arith.constant 2 : i32
    %swap3A_526 = arith.index_cast %swap3A_525 : i32 to index
    %swap3A_527 = arith.constant 96 : index
    %swap3A_528 = tpu.vector_load %arg5[%swap3A_526, %swap3A_527] {strides = array<i32>} : memref<4x128xi32, #tpu.memory_space<vmem>>, vector<1x16xi32>,
    %swap3A_529 = vector.shape_cast %swap3A_528 : vector<1x16xi32> to vector<16xi32>
    %swap3A_530 = vector.shape_cast %add3A_524 : vector<16xi32> to vector<1x16xi32>
    tpu.vector_store %arg5[%swap3A_526, %swap3A_527], %swap3A_530 {strides = array<i32>} : memref<4x128xi32, #tpu.memory_space<vmem>>, vector<1x16xi32>,
    %get3A_531 = arith.constant 2 : i32
    %get3A_532 = arith.index_cast %get3A_531 : i32 to index
    %get3A_533 = arith.constant 112 : index
    %get3A_534 = tpu.vector_load %arg5[%get3A_532, %get3A_533] {strides = array<i32>} : memref<4x128xi32, #tpu.memory_space<vmem>>, vector<1x16xi32>,
    %get3A_535 = vector.shape_cast %get3A_534 : vector<1x16xi32> to vector<16xi32>
    %eq3A_536 = arith.constant 0 : i32
    %eq3A_537 = vector.broadcast %eq3A_536 : i32 to vector<16xi32>
    %eq3A_538 = arith.cmpi eq, %get3A_535, %eq3A_537 : vector<16xi32>
    %sub3A_539 = arith.constant 1 : i32
    %sub3A_540 = vector.broadcast %sub3A_539 : i32 to vector<16xi32>
    %sub3A_541 = arith.subi %get3A_535, %sub3A_540 : vector<16xi32>
    %jit3A_542 = arith.constant 365 : i32
    %broadcast_in_dim3A_543 = vector.broadcast %jit3A_542 : i32 to vector<16xi32>
    %select_n3A_544 = arith.select %eq3A_538, %broadcast_in_dim3A_543, %sub3A_541 : vector<16xi1>, vector<16xi32>
    %add3A_545 = vector.broadcast %mul3A_15 : i32 to vector<16xi32>
    %add3A_546 = arith.addi %select_n3A_544, %add3A_545 : vector<16xi32>
    %swap3A_547 = arith.constant 2 : i32
    %swap3A_548 = arith.index_cast %swap3A_547 : i32 to index
    %swap3A_549 = arith.constant 112 : index
    %swap3A_550 = tpu.vector_load %arg5[%swap3A_548, %swap3A_549] {strides = array<i32>} : memref<4x128xi32, #tpu.memory_space<vmem>>, vector<1x16xi32>,
    %swap3A_551 = vector.shape_cast %swap3A_550 : vector<1x16xi32> to vector<16xi32>
    %swap3A_552 = vector.shape_cast %add3A_546 : vector<16xi32> to vector<1x16xi32>
    tpu.vector_store %arg5[%swap3A_548, %swap3A_549], %swap3A_552 {strides = array<i32>} : memref<4x128xi32, #tpu.memory_space<vmem>>, vector<1x16xi32>,
    %dma_start3A_553 = arith.constant 2 : i32
    %dma_start3A_554 = arith.constant 0 : i32
    %dma_start3A_555 = tpu.memref_slice %arg5[%dma_start3A_553, %dma_start3A_554] : memref<4x128xi32, #tpu.memory_space<vmem>> -> memref<1x128xi32, #tpu.memory_space<vmem>>
    %dma_start3A_556 = tpu.memref_squeeze %dma_start3A_555 : memref<1x128xi32, #tpu.memory_space<vmem>> -> memref<128xi32, #tpu.memory_space<vmem>>
    %dma_start3A_557 = arith.constant 0 : i32
    %dma_start3A_558 = arith.constant 0 : i32
    %dma_start3A_559 = tpu.memref_slice %arg3[%dma_start3A_557, %dma_start3A_558] : memref<2944x256xf32, #tpu.memory_space<hbm>> -> memref<2944x256xf32, #tpu.memory_space<hbm>>
    tpu.enqueue_indirect_dma source(%dma_start3A_559 : memref<2944x256xf32, #tpu.memory_space<hbm>>) target(%arg8 : memref<128x256xf32, #tpu.memory_space<vmem>>) offsets(%dma_start3A_556 : memref<128xi32, #tpu.memory_space<vmem>>) semaphore(%arg11 : memref<!tpu.dma_semaphore, #tpu.memory_space<semaphore_mem>>)
    %get3A_560 = arith.constant 3 : i32
    %get3A_561 = arith.index_cast %get3A_560 : i32 to index
    %get3A_562 = arith.constant 0 : index
    %get3A_563 = tpu.vector_load %arg5[%get3A_561, %get3A_562] {strides = array<i32>} : memref<4x128xi32, #tpu.memory_space<vmem>>, vector<1x16xi32>,
    %get3A_564 = vector.shape_cast %get3A_563 : vector<1x16xi32> to vector<16xi32>
    %eq3A_565 = arith.constant 0 : i32
    %eq3A_566 = vector.broadcast %eq3A_565 : i32 to vector<16xi32>
    %eq3A_567 = arith.cmpi eq, %get3A_564, %eq3A_566 : vector<16xi32>
    %sub3A_568 = arith.constant 1 : i32
    %sub3A_569 = vector.broadcast %sub3A_568 : i32 to vector<16xi32>
    %sub3A_570 = arith.subi %get3A_564, %sub3A_569 : vector<16xi32>
    %jit3A_571 = arith.constant 365 : i32
    %broadcast_in_dim3A_572 = vector.broadcast %jit3A_571 : i32 to vector<16xi32>
    %select_n3A_573 = arith.select %eq3A_567, %broadcast_in_dim3A_572, %sub3A_570 : vector<16xi1>, vector<16xi32>
    %add3A_574 = vector.broadcast %mul3A_15 : i32 to vector<16xi32>
    %add3A_575 = arith.addi %select_n3A_573, %add3A_574 : vector<16xi32>
    %swap3A_576 = arith.constant 3 : i32
    %swap3A_577 = arith.index_cast %swap3A_576 : i32 to index
    %swap3A_578 = arith.constant 0 : index
    %swap3A_579 = tpu.vector_load %arg5[%swap3A_577, %swap3A_578] {strides = array<i32>} : memref<4x128xi32, #tpu.memory_space<vmem>>, vector<1x16xi32>,
    %swap3A_580 = vector.shape_cast %swap3A_579 : vector<1x16xi32> to vector<16xi32>
    %swap3A_581 = vector.shape_cast %add3A_575 : vector<16xi32> to vector<1x16xi32>
    tpu.vector_store %arg5[%swap3A_577, %swap3A_578], %swap3A_581 {strides = array<i32>} : memref<4x128xi32, #tpu.memory_space<vmem>>, vector<1x16xi32>,
    %get3A_582 = arith.constant 3 : i32
    %get3A_583 = arith.index_cast %get3A_582 : i32 to index
    %get3A_584 = arith.constant 16 : index
    %get3A_585 = tpu.vector_load %arg5[%get3A_583, %get3A_584] {strides = array<i32>} : memref<4x128xi32, #tpu.memory_space<vmem>>, vector<1x16xi32>,
    %get3A_586 = vector.shape_cast %get3A_585 : vector<1x16xi32> to vector<16xi32>
    %eq3A_587 = arith.constant 0 : i32
    %eq3A_588 = vector.broadcast %eq3A_587 : i32 to vector<16xi32>
    %eq3A_589 = arith.cmpi eq, %get3A_586, %eq3A_588 : vector<16xi32>
    %sub3A_590 = arith.constant 1 : i32
    %sub3A_591 = vector.broadcast %sub3A_590 : i32 to vector<16xi32>
    %sub3A_592 = arith.subi %get3A_586, %sub3A_591 : vector<16xi32>
    %jit3A_593 = arith.constant 365 : i32
    %broadcast_in_dim3A_594 = vector.broadcast %jit3A_593 : i32 to vector<16xi32>
    %select_n3A_595 = arith.select %eq3A_589, %broadcast_in_dim3A_594, %sub3A_592 : vector<16xi1>, vector<16xi32>
    %add3A_596 = vector.broadcast %mul3A_15 : i32 to vector<16xi32>
    %add3A_597 = arith.addi %select_n3A_595, %add3A_596 : vector<16xi32>
    %swap3A_598 = arith.constant 3 : i32
    %swap3A_599 = arith.index_cast %swap3A_598 : i32 to index
    %swap3A_600 = arith.constant 16 : index
    %swap3A_601 = tpu.vector_load %arg5[%swap3A_599, %swap3A_600] {strides = array<i32>} : memref<4x128xi32, #tpu.memory_space<vmem>>, vector<1x16xi32>,
    %swap3A_602 = vector.shape_cast %swap3A_601 : vector<1x16xi32> to vector<16xi32>
    %swap3A_603 = vector.shape_cast %add3A_597 : vector<16xi32> to vector<1x16xi32>
    tpu.vector_store %arg5[%swap3A_599, %swap3A_600], %swap3A_603 {strides = array<i32>} : memref<4x128xi32, #tpu.memory_space<vmem>>, vector<1x16xi32>,
    %get3A_604 = arith.constant 3 : i32
    %get3A_605 = arith.index_cast %get3A_604 : i32 to index
    %get3A_606 = arith.constant 32 : index
    %get3A_607 = tpu.vector_load %arg5[%get3A_605, %get3A_606] {strides = array<i32>} : memref<4x128xi32, #tpu.memory_space<vmem>>, vector<1x16xi32>,
    %get3A_608 = vector.shape_cast %get3A_607 : vector<1x16xi32> to vector<16xi32>
    %eq3A_609 = arith.constant 0 : i32
    %eq3A_610 = vector.broadcast %eq3A_609 : i32 to vector<16xi32>
    %eq3A_611 = arith.cmpi eq, %get3A_608, %eq3A_610 : vector<16xi32>
    %sub3A_612 = arith.constant 1 : i32
    %sub3A_613 = vector.broadcast %sub3A_612 : i32 to vector<16xi32>
    %sub3A_614 = arith.subi %get3A_608, %sub3A_613 : vector<16xi32>
    %jit3A_615 = arith.constant 365 : i32
    %broadcast_in_dim3A_616 = vector.broadcast %jit3A_615 : i32 to vector<16xi32>
    %select_n3A_617 = arith.select %eq3A_611, %broadcast_in_dim3A_616, %sub3A_614 : vector<16xi1>, vector<16xi32>
    %add3A_618 = vector.broadcast %mul3A_15 : i32 to vector<16xi32>
    %add3A_619 = arith.addi %select_n3A_617, %add3A_618 : vector<16xi32>
    %swap3A_620 = arith.constant 3 : i32
    %swap3A_621 = arith.index_cast %swap3A_620 : i32 to index
    %swap3A_622 = arith.constant 32 : index
    %swap3A_623 = tpu.vector_load %arg5[%swap3A_621, %swap3A_622] {strides = array<i32>} : memref<4x128xi32, #tpu.memory_space<vmem>>, vector<1x16xi32>,
    %swap3A_624 = vector.shape_cast %swap3A_623 : vector<1x16xi32> to vector<16xi32>
    %swap3A_625 = vector.shape_cast %add3A_619 : vector<16xi32> to vector<1x16xi32>
    tpu.vector_store %arg5[%swap3A_621, %swap3A_622], %swap3A_625 {strides = array<i32>} : memref<4x128xi32, #tpu.memory_space<vmem>>, vector<1x16xi32>,
    %get3A_626 = arith.constant 3 : i32
    %get3A_627 = arith.index_cast %get3A_626 : i32 to index
    %get3A_628 = arith.constant 48 : index
    %get3A_629 = tpu.vector_load %arg5[%get3A_627, %get3A_628] {strides = array<i32>} : memref<4x128xi32, #tpu.memory_space<vmem>>, vector<1x16xi32>,
    %get3A_630 = vector.shape_cast %get3A_629 : vector<1x16xi32> to vector<16xi32>
    %eq3A_631 = arith.constant 0 : i32
    %eq3A_632 = vector.broadcast %eq3A_631 : i32 to vector<16xi32>
    %eq3A_633 = arith.cmpi eq, %get3A_630, %eq3A_632 : vector<16xi32>
    %sub3A_634 = arith.constant 1 : i32
    %sub3A_635 = vector.broadcast %sub3A_634 : i32 to vector<16xi32>
    %sub3A_636 = arith.subi %get3A_630, %sub3A_635 : vector<16xi32>
    %jit3A_637 = arith.constant 365 : i32
    %broadcast_in_dim3A_638 = vector.broadcast %jit3A_637 : i32 to vector<16xi32>
    %select_n3A_639 = arith.select %eq3A_633, %broadcast_in_dim3A_638, %sub3A_636 : vector<16xi1>, vector<16xi32>
    %add3A_640 = vector.broadcast %mul3A_15 : i32 to vector<16xi32>
    %add3A_641 = arith.addi %select_n3A_639, %add3A_640 : vector<16xi32>
    %swap3A_642 = arith.constant 3 : i32
    %swap3A_643 = arith.index_cast %swap3A_642 : i32 to index
    %swap3A_644 = arith.constant 48 : index
    %swap3A_645 = tpu.vector_load %arg5[%swap3A_643, %swap3A_644] {strides = array<i32>} : memref<4x128xi32, #tpu.memory_space<vmem>>, vector<1x16xi32>,
    %swap3A_646 = vector.shape_cast %swap3A_645 : vector<1x16xi32> to vector<16xi32>
    %swap3A_647 = vector.shape_cast %add3A_641 : vector<16xi32> to vector<1x16xi32>
    tpu.vector_store %arg5[%swap3A_643, %swap3A_644], %swap3A_647 {strides = array<i32>} : memref<4x128xi32, #tpu.memory_space<vmem>>, vector<1x16xi32>,
    %get3A_648 = arith.constant 3 : i32
    %get3A_649 = arith.index_cast %get3A_648 : i32 to index
    %get3A_650 = arith.constant 64 : index
    %get3A_651 = tpu.vector_load %arg5[%get3A_649, %get3A_650] {strides = array<i32>} : memref<4x128xi32, #tpu.memory_space<vmem>>, vector<1x16xi32>,
    %get3A_652 = vector.shape_cast %get3A_651 : vector<1x16xi32> to vector<16xi32>
    %eq3A_653 = arith.constant 0 : i32
    %eq3A_654 = vector.broadcast %eq3A_653 : i32 to vector<16xi32>
    %eq3A_655 = arith.cmpi eq, %get3A_652, %eq3A_654 : vector<16xi32>
    %sub3A_656 = arith.constant 1 : i32
    %sub3A_657 = vector.broadcast %sub3A_656 : i32 to vector<16xi32>
    %sub3A_658 = arith.subi %get3A_652, %sub3A_657 : vector<16xi32>
    %jit3A_659 = arith.constant 365 : i32
    %broadcast_in_dim3A_660 = vector.broadcast %jit3A_659 : i32 to vector<16xi32>
    %select_n3A_661 = arith.select %eq3A_655, %broadcast_in_dim3A_660, %sub3A_658 : vector<16xi1>, vector<16xi32>
    %add3A_662 = vector.broadcast %mul3A_15 : i32 to vector<16xi32>
    %add3A_663 = arith.addi %select_n3A_661, %add3A_662 : vector<16xi32>
    %swap3A_664 = arith.constant 3 : i32
    %swap3A_665 = arith.index_cast %swap3A_664 : i32 to index
    %swap3A_666 = arith.constant 64 : index
    %swap3A_667 = tpu.vector_load %arg5[%swap3A_665, %swap3A_666] {strides = array<i32>} : memref<4x128xi32, #tpu.memory_space<vmem>>, vector<1x16xi32>,
    %swap3A_668 = vector.shape_cast %swap3A_667 : vector<1x16xi32> to vector<16xi32>
    %swap3A_669 = vector.shape_cast %add3A_663 : vector<16xi32> to vector<1x16xi32>
    tpu.vector_store %arg5[%swap3A_665, %swap3A_666], %swap3A_669 {strides = array<i32>} : memref<4x128xi32, #tpu.memory_space<vmem>>, vector<1x16xi32>,
    %get3A_670 = arith.constant 3 : i32
    %get3A_671 = arith.index_cast %get3A_670 : i32 to index
    %get3A_672 = arith.constant 80 : index
    %get3A_673 = tpu.vector_load %arg5[%get3A_671, %get3A_672] {strides = array<i32>} : memref<4x128xi32, #tpu.memory_space<vmem>>, vector<1x16xi32>,
    %get3A_674 = vector.shape_cast %get3A_673 : vector<1x16xi32> to vector<16xi32>
    %eq3A_675 = arith.constant 0 : i32
    %eq3A_676 = vector.broadcast %eq3A_675 : i32 to vector<16xi32>
    %eq3A_677 = arith.cmpi eq, %get3A_674, %eq3A_676 : vector<16xi32>
    %sub3A_678 = arith.constant 1 : i32
    %sub3A_679 = vector.broadcast %sub3A_678 : i32 to vector<16xi32>
    %sub3A_680 = arith.subi %get3A_674, %sub3A_679 : vector<16xi32>
    %jit3A_681 = arith.constant 365 : i32
    %broadcast_in_dim3A_682 = vector.broadcast %jit3A_681 : i32 to vector<16xi32>
    %select_n3A_683 = arith.select %eq3A_677, %broadcast_in_dim3A_682, %sub3A_680 : vector<16xi1>, vector<16xi32>
    %add3A_684 = vector.broadcast %mul3A_15 : i32 to vector<16xi32>
    %add3A_685 = arith.addi %select_n3A_683, %add3A_684 : vector<16xi32>
    %swap3A_686 = arith.constant 3 : i32
    %swap3A_687 = arith.index_cast %swap3A_686 : i32 to index
    %swap3A_688 = arith.constant 80 : index
    %swap3A_689 = tpu.vector_load %arg5[%swap3A_687, %swap3A_688] {strides = array<i32>} : memref<4x128xi32, #tpu.memory_space<vmem>>, vector<1x16xi32>,
    %swap3A_690 = vector.shape_cast %swap3A_689 : vector<1x16xi32> to vector<16xi32>
    %swap3A_691 = vector.shape_cast %add3A_685 : vector<16xi32> to vector<1x16xi32>
    tpu.vector_store %arg5[%swap3A_687, %swap3A_688], %swap3A_691 {strides = array<i32>} : memref<4x128xi32, #tpu.memory_space<vmem>>, vector<1x16xi32>,
    %get3A_692 = arith.constant 3 : i32
    %get3A_693 = arith.index_cast %get3A_692 : i32 to index
    %get3A_694 = arith.constant 96 : index
    %get3A_695 = tpu.vector_load %arg5[%get3A_693, %get3A_694] {strides = array<i32>} : memref<4x128xi32, #tpu.memory_space<vmem>>, vector<1x16xi32>,
    %get3A_696 = vector.shape_cast %get3A_695 : vector<1x16xi32> to vector<16xi32>
    %eq3A_697 = arith.constant 0 : i32
    %eq3A_698 = vector.broadcast %eq3A_697 : i32 to vector<16xi32>
    %eq3A_699 = arith.cmpi eq, %get3A_696, %eq3A_698 : vector<16xi32>
    %sub3A_700 = arith.constant 1 : i32
    %sub3A_701 = vector.broadcast %sub3A_700 : i32 to vector<16xi32>
    %sub3A_702 = arith.subi %get3A_696, %sub3A_701 : vector<16xi32>
    %jit3A_703 = arith.constant 365 : i32
    %broadcast_in_dim3A_704 = vector.broadcast %jit3A_703 : i32 to vector<16xi32>
    %select_n3A_705 = arith.select %eq3A_699, %broadcast_in_dim3A_704, %sub3A_702 : vector<16xi1>, vector<16xi32>
    %add3A_706 = vector.broadcast %mul3A_15 : i32 to vector<16xi32>
    %add3A_707 = arith.addi %select_n3A_705, %add3A_706 : vector<16xi32>
    %swap3A_708 = arith.constant 3 : i32
    %swap3A_709 = arith.index_cast %swap3A_708 : i32 to index
    %swap3A_710 = arith.constant 96 : index
    %swap3A_711 = tpu.vector_load %arg5[%swap3A_709, %swap3A_710] {strides = array<i32>} : memref<4x128xi32, #tpu.memory_space<vmem>>, vector<1x16xi32>,
    %swap3A_712 = vector.shape_cast %swap3A_711 : vector<1x16xi32> to vector<16xi32>
    %swap3A_713 = vector.shape_cast %add3A_707 : vector<16xi32> to vector<1x16xi32>
    tpu.vector_store %arg5[%swap3A_709, %swap3A_710], %swap3A_713 {strides = array<i32>} : memref<4x128xi32, #tpu.memory_space<vmem>>, vector<1x16xi32>,
    %get3A_714 = arith.constant 3 : i32
    %get3A_715 = arith.index_cast %get3A_714 : i32 to index
    %get3A_716 = arith.constant 112 : index
    %get3A_717 = tpu.vector_load %arg5[%get3A_715, %get3A_716] {strides = array<i32>} : memref<4x128xi32, #tpu.memory_space<vmem>>, vector<1x16xi32>,
    %get3A_718 = vector.shape_cast %get3A_717 : vector<1x16xi32> to vector<16xi32>
    %eq3A_719 = arith.constant 0 : i32
    %eq3A_720 = vector.broadcast %eq3A_719 : i32 to vector<16xi32>
    %eq3A_721 = arith.cmpi eq, %get3A_718, %eq3A_720 : vector<16xi32>
    %sub3A_722 = arith.constant 1 : i32
    %sub3A_723 = vector.broadcast %sub3A_722 : i32 to vector<16xi32>
    %sub3A_724 = arith.subi %get3A_718, %sub3A_723 : vector<16xi32>
    %jit3A_725 = arith.constant 365 : i32
    %broadcast_in_dim3A_726 = vector.broadcast %jit3A_725 : i32 to vector<16xi32>
    %select_n3A_727 = arith.select %eq3A_721, %broadcast_in_dim3A_726, %sub3A_724 : vector<16xi1>, vector<16xi32>
    %add3A_728 = vector.broadcast %mul3A_15 : i32 to vector<16xi32>
    %add3A_729 = arith.addi %select_n3A_727, %add3A_728 : vector<16xi32>
    %swap3A_730 = arith.constant 3 : i32
    %swap3A_731 = arith.index_cast %swap3A_730 : i32 to index
    %swap3A_732 = arith.constant 112 : index
    %swap3A_733 = tpu.vector_load %arg5[%swap3A_731, %swap3A_732] {strides = array<i32>} : memref<4x128xi32, #tpu.memory_space<vmem>>, vector<1x16xi32>,
    %swap3A_734 = vector.shape_cast %swap3A_733 : vector<1x16xi32> to vector<16xi32>
    %swap3A_735 = vector.shape_cast %add3A_729 : vector<16xi32> to vector<1x16xi32>
    tpu.vector_store %arg5[%swap3A_731, %swap3A_732], %swap3A_735 {strides = array<i32>} : memref<4x128xi32, #tpu.memory_space<vmem>>, vector<1x16xi32>,
    %dma_wait3A = arith.constant 0 : i32
    %dma_wait3A_736 = arith.constant 0 : i32
    %dma_wait3A_737 = tpu.memref_slice %arg5[%dma_wait3A, %dma_wait3A_736] : memref<4x128xi32, #tpu.memory_space<vmem>> -> memref<1x128xi32, #tpu.memory_space<vmem>>
    %dma_wait3A_738 = tpu.memref_squeeze %dma_wait3A_737 : memref<1x128xi32, #tpu.memory_space<vmem>> -> memref<128xi32, #tpu.memory_space<vmem>>
    %dma_wait3A_739 = arith.constant 0 : i32
    %dma_wait3A_740 = arith.constant 0 : i32
    %dma_wait3A_741 = tpu.memref_slice %arg3[%dma_wait3A_739, %dma_wait3A_740] : memref<2944x256xf32, #tpu.memory_space<hbm>> -> memref<2944x256xf32, #tpu.memory_space<hbm>>
    tpu.wait_indirect_dma semaphore(%arg9 : memref<!tpu.dma_semaphore, #tpu.memory_space<semaphore_mem>>) src(%dma_wait3A_741 : memref<2944x256xf32, #tpu.memory_space<hbm>>) dst(%arg6 : memref<128x256xf32, #tpu.memory_space<vmem>>)
    %add3A_742 = arith.constant 0 : i32
    %add3A_743 = arith.addi %mul3A_2, %add3A_742 : i32
    %dma_start3A_744 = arith.constant 0 : i32
    %dma_start3A_745 = tpu.memref_slice %arg4[%add3A_743, %dma_start3A_744] : memref<16384x256xf32, #tpu.memory_space<hbm>> -> memref<128x256xf32, #tpu.memory_space<hbm>>
    %dma_start3A_746 = arith.constant 0 : i32
    %dma_start3A_747 = tpu.memref_slice %arg4[%add3A_743, %dma_start3A_746] : memref<16384x256xf32, #tpu.memory_space<hbm>> -> memref<128x256xf32, #tpu.memory_space<hbm>>
    tpu.enqueue_dma source(%arg6 : memref<128x256xf32, #tpu.memory_space<vmem>>) target(%dma_start3A_747 : memref<128x256xf32, #tpu.memory_space<hbm>>) target_semaphore(%arg12 : memref<!tpu.dma_semaphore, #tpu.memory_space<semaphore_mem>>)
    %dma_wait3A_748 = arith.constant 0 : i32
    %dma_wait3A_749 = tpu.memref_slice %arg4[%add3A_743, %dma_wait3A_748] : memref<16384x256xf32, #tpu.memory_space<hbm>> -> memref<128x256xf32, #tpu.memory_space<hbm>>
    %dma_wait3A_750 = arith.constant 0 : i32
    %dma_wait3A_751 = tpu.memref_slice %arg4[%add3A_743, %dma_wait3A_750] : memref<16384x256xf32, #tpu.memory_space<hbm>> -> memref<128x256xf32, #tpu.memory_space<hbm>>
    tpu.wait_dma2 semaphore(%arg12 : memref<!tpu.dma_semaphore, #tpu.memory_space<semaphore_mem>>) src(%arg6 : memref<128x256xf32, #tpu.memory_space<vmem>>) dst(%dma_wait3A_751 : memref<128x256xf32, #tpu.memory_space<hbm>>)
    %dma_start3A_752 = arith.constant 3 : i32
    %dma_start3A_753 = arith.constant 0 : i32
    %dma_start3A_754 = tpu.memref_slice %arg5[%dma_start3A_752, %dma_start3A_753] : memref<4x128xi32, #tpu.memory_space<vmem>> -> memref<1x128xi32, #tpu.memory_space<vmem>>
    %dma_start3A_755 = tpu.memref_squeeze %dma_start3A_754 : memref<1x128xi32, #tpu.memory_space<vmem>> -> memref<128xi32, #tpu.memory_space<vmem>>
    %dma_start3A_756 = arith.constant 0 : i32
    %dma_start3A_757 = arith.constant 0 : i32
    %dma_start3A_758 = tpu.memref_slice %arg3[%dma_start3A_756, %dma_start3A_757] : memref<2944x256xf32, #tpu.memory_space<hbm>> -> memref<2944x256xf32, #tpu.memory_space<hbm>>
    tpu.enqueue_indirect_dma source(%dma_start3A_758 : memref<2944x256xf32, #tpu.memory_space<hbm>>) target(%arg6 : memref<128x256xf32, #tpu.memory_space<vmem>>) offsets(%dma_start3A_755 : memref<128xi32, #tpu.memory_space<vmem>>) semaphore(%arg9 : memref<!tpu.dma_semaphore, #tpu.memory_space<semaphore_mem>>)
    %dma_wait3A_759 = arith.constant 1 : i32
    %dma_wait3A_760 = arith.constant 0 : i32
    %dma_wait3A_761 = tpu.memref_slice %arg5[%dma_wait3A_759, %dma_wait3A_760] : memref<4x128xi32, #tpu.memory_space<vmem>> -> memref<1x128xi32, #tpu.memory_space<vmem>>
    %dma_wait3A_762 = tpu.memref_squeeze %dma_wait3A_761 : memref<1x128xi32, #tpu.memory_space<vmem>> -> memref<128xi32, #tpu.memory_space<vmem>>
    %dma_wait3A_763 = arith.constant 0 : i32
    %dma_wait3A_764 = arith.constant 0 : i32
    %dma_wait3A_765 = tpu.memref_slice %arg3[%dma_wait3A_763, %dma_wait3A_764] : memref<2944x256xf32, #tpu.memory_space<hbm>> -> memref<2944x256xf32, #tpu.memory_space<hbm>>
    tpu.wait_indirect_dma semaphore(%arg10 : memref<!tpu.dma_semaphore, #tpu.memory_space<semaphore_mem>>) src(%dma_wait3A_765 : memref<2944x256xf32, #tpu.memory_space<hbm>>) dst(%arg7 : memref<128x256xf32, #tpu.memory_space<vmem>>)
    %add3A_766 = arith.constant 128 : i32
    %add3A_767 = arith.addi %mul3A_2, %add3A_766 : i32
    %dma_start3A_768 = arith.constant 0 : i32
    %dma_start3A_769 = tpu.memref_slice %arg4[%add3A_767, %dma_start3A_768] : memref<16384x256xf32, #tpu.memory_space<hbm>> -> memref<128x256xf32, #tpu.memory_space<hbm>>
    %dma_start3A_770 = arith.constant 0 : i32
    %dma_start3A_771 = tpu.memref_slice %arg4[%add3A_767, %dma_start3A_770] : memref<16384x256xf32, #tpu.memory_space<hbm>> -> memref<128x256xf32, #tpu.memory_space<hbm>>
    tpu.enqueue_dma source(%arg7 : memref<128x256xf32, #tpu.memory_space<vmem>>) target(%dma_start3A_771 : memref<128x256xf32, #tpu.memory_space<hbm>>) target_semaphore(%arg13 : memref<!tpu.dma_semaphore, #tpu.memory_space<semaphore_mem>>)
    %dma_wait3A_772 = arith.constant 2 : i32
    %dma_wait3A_773 = arith.constant 0 : i32
    %dma_wait3A_774 = tpu.memref_slice %arg5[%dma_wait3A_772, %dma_wait3A_773] : memref<4x128xi32, #tpu.memory_space<vmem>> -> memref<1x128xi32, #tpu.memory_space<vmem>>
    %dma_wait3A_775 = tpu.memref_squeeze %dma_wait3A_774 : memref<1x128xi32, #tpu.memory_space<vmem>> -> memref<128xi32, #tpu.memory_space<vmem>>
    %dma_wait3A_776 = arith.constant 0 : i32
    %dma_wait3A_777 = arith.constant 0 : i32
    %dma_wait3A_778 = tpu.memref_slice %arg3[%dma_wait3A_776, %dma_wait3A_777] : memref<2944x256xf32, #tpu.memory_space<hbm>> -> memref<2944x256xf32, #tpu.memory_space<hbm>>
    tpu.wait_indirect_dma semaphore(%arg11 : memref<!tpu.dma_semaphore, #tpu.memory_space<semaphore_mem>>) src(%dma_wait3A_778 : memref<2944x256xf32, #tpu.memory_space<hbm>>) dst(%arg8 : memref<128x256xf32, #tpu.memory_space<vmem>>)
    %add3A_779 = arith.constant 256 : i32
    %add3A_780 = arith.addi %mul3A_2, %add3A_779 : i32
    %dma_start3A_781 = arith.constant 0 : i32
    %dma_start3A_782 = tpu.memref_slice %arg4[%add3A_780, %dma_start3A_781] : memref<16384x256xf32, #tpu.memory_space<hbm>> -> memref<128x256xf32, #tpu.memory_space<hbm>>
    %dma_start3A_783 = arith.constant 0 : i32
    %dma_start3A_784 = tpu.memref_slice %arg4[%add3A_780, %dma_start3A_783] : memref<16384x256xf32, #tpu.memory_space<hbm>> -> memref<128x256xf32, #tpu.memory_space<hbm>>
    tpu.enqueue_dma source(%arg8 : memref<128x256xf32, #tpu.memory_space<vmem>>) target(%dma_start3A_784 : memref<128x256xf32, #tpu.memory_space<hbm>>) target_semaphore(%arg14 : memref<!tpu.dma_semaphore, #tpu.memory_space<semaphore_mem>>)
    %dma_wait3A_785 = arith.constant 3 : i32
    %dma_wait3A_786 = arith.constant 0 : i32
    %dma_wait3A_787 = tpu.memref_slice %arg5[%dma_wait3A_785, %dma_wait3A_786] : memref<4x128xi32, #tpu.memory_space<vmem>> -> memref<1x128xi32, #tpu.memory_space<vmem>>
    %dma_wait3A_788 = tpu.memref_squeeze %dma_wait3A_787 : memref<1x128xi32, #tpu.memory_space<vmem>> -> memref<128xi32, #tpu.memory_space<vmem>>
    %dma_wait3A_789 = arith.constant 0 : i32
    %dma_wait3A_790 = arith.constant 0 : i32
    %dma_wait3A_791 = tpu.memref_slice %arg3[%dma_wait3A_789, %dma_wait3A_790] : memref<2944x256xf32, #tpu.memory_space<hbm>> -> memref<2944x256xf32, #tpu.memory_space<hbm>>
    tpu.wait_indirect_dma semaphore(%arg9 : memref<!tpu.dma_semaphore, #tpu.memory_space<semaphore_mem>>) src(%dma_wait3A_791 : memref<2944x256xf32, #tpu.memory_space<hbm>>) dst(%arg6 : memref<128x256xf32, #tpu.memory_space<vmem>>)
    %add3A_792 = arith.constant 384 : i32
    %add3A_793 = arith.addi %mul3A_2, %add3A_792 : i32
    %dma_start3A_794 = arith.constant 0 : i32
    %dma_start3A_795 = tpu.memref_slice %arg4[%add3A_793, %dma_start3A_794] : memref<16384x256xf32, #tpu.memory_space<hbm>> -> memref<128x256xf32, #tpu.memory_space<hbm>>
    %dma_start3A_796 = arith.constant 0 : i32
    %dma_start3A_797 = tpu.memref_slice %arg4[%add3A_793, %dma_start3A_796] : memref<16384x256xf32, #tpu.memory_space<hbm>> -> memref<128x256xf32, #tpu.memory_space<hbm>>
    tpu.enqueue_dma source(%arg6 : memref<128x256xf32, #tpu.memory_space<vmem>>) target(%dma_start3A_797 : memref<128x256xf32, #tpu.memory_space<hbm>>) target_semaphore(%arg12 : memref<!tpu.dma_semaphore, #tpu.memory_space<semaphore_mem>>)
    %dma_wait3A_798 = arith.constant 0 : i32
    %dma_wait3A_799 = tpu.memref_slice %arg4[%add3A_767, %dma_wait3A_798] : memref<16384x256xf32, #tpu.memory_space<hbm>> -> memref<128x256xf32, #tpu.memory_space<hbm>>
    %dma_wait3A_800 = arith.constant 0 : i32
    %dma_wait3A_801 = tpu.memref_slice %arg4[%add3A_767, %dma_wait3A_800] : memref<16384x256xf32, #tpu.memory_space<hbm>> -> memref<128x256xf32, #tpu.memory_space<hbm>>
    tpu.wait_dma2 semaphore(%arg13 : memref<!tpu.dma_semaphore, #tpu.memory_space<semaphore_mem>>) src(%arg7 : memref<128x256xf32, #tpu.memory_space<vmem>>) dst(%dma_wait3A_801 : memref<128x256xf32, #tpu.memory_space<hbm>>)
    %dma_wait3A_802 = arith.constant 0 : i32
    %dma_wait3A_803 = tpu.memref_slice %arg4[%add3A_780, %dma_wait3A_802] : memref<16384x256xf32, #tpu.memory_space<hbm>> -> memref<128x256xf32, #tpu.memory_space<hbm>>
    %dma_wait3A_804 = arith.constant 0 : i32
    %dma_wait3A_805 = tpu.memref_slice %arg4[%add3A_780, %dma_wait3A_804] : memref<16384x256xf32, #tpu.memory_space<hbm>> -> memref<128x256xf32, #tpu.memory_space<hbm>>
    tpu.wait_dma2 semaphore(%arg14 : memref<!tpu.dma_semaphore, #tpu.memory_space<semaphore_mem>>) src(%arg8 : memref<128x256xf32, #tpu.memory_space<vmem>>) dst(%dma_wait3A_805 : memref<128x256xf32, #tpu.memory_space<hbm>>)
    %dma_wait3A_806 = arith.constant 0 : i32
    %dma_wait3A_807 = tpu.memref_slice %arg4[%add3A_793, %dma_wait3A_806] : memref<16384x256xf32, #tpu.memory_space<hbm>> -> memref<128x256xf32, #tpu.memory_space<hbm>>
    %dma_wait3A_808 = arith.constant 0 : i32
    %dma_wait3A_809 = tpu.memref_slice %arg4[%add3A_793, %dma_wait3A_808] : memref<16384x256xf32, #tpu.memory_space<hbm>> -> memref<128x256xf32, #tpu.memory_space<hbm>>
    tpu.wait_dma2 semaphore(%arg12 : memref<!tpu.dma_semaphore, #tpu.memory_space<semaphore_mem>>) src(%arg6 : memref<128x256xf32, #tpu.memory_space<vmem>>) dst(%dma_wait3A_809 : memref<128x256xf32, #tpu.memory_space<hbm>>)
    return
  }
}

</mosaic_0001>

<sc_bundles>
// kernel: kernel.3.cloned.1.call-start
scs
__scs_entry_jumppad:
0x0: {  	(pc) =	sbr.rel $0x88, $3  }
0x1: {  	(tag) =	ssettag $0x0;
	lr =	simm.s32 $0x1  }
0x2: {  	[smem:$0x3F9F] =	sst lr;
	_ =	strace $0xD0000000  }
0x3: {  	_ = 	snop  }
0x4: {  	_ = 	snop  }
0x5: {  	_ = 	snop  }
0x6: {  	_ = 	snop  }
0x7: {  	_ = 	snop  }
__scs_overlays_trampoline_lowered:
0x8: {  	[smem:$0x3FAE] =	sst s0  }
0x9: {  	[smem:$0x3FAF] =	sst s1  }
0xa: {  	[smem:$0x3FB0] =	sst s2  }
0xb: {  	[smem:$0x3FB1] =	sst s3  }
0xc: {  	[smem:$0x3FB2] =	sst s4  }
0xd: {  	[smem:$0x3FB3] =	sst s5  }
0xe: {  	[smem:$0x3FB4] =	sst s6  }
0xf: {  	[smem:$0x3FB5] =	sst s7  }
0x10: {  	[smem:$0x3FB6] =	sst s8  }
0x11: {  	[smem:$0x3FB7] =	sst s9;
	s0 =	simm.s32 @!p0 $0x0  }
0x12: {  	s1 =	sld [smem:$0x3F9D];
	s0 =	simm.s32 @p0 $0x1  }
0x13: {  	[smem:$0x3FB8] =	sst s0;
	s0 =	simm.s32 @!p1 $0x0  }
0x14: {  	s2 =	sld [smem:$0x3F9C];
	s0 =	simm.s32 @p1 $0x1  }
0x15: {  	[smem:$0x3FB9] =	sst s0;
	s0 =	simm.s32 @!p2 $0x0  }
0x16: {  	s3 =	sld [smem:$0x3FDB];
	s0 =	simm.s32 @p2 $0x1  }
0x17: {  	s4 =	simm.s32 $0x1BF5;
	[smem:$0x3FBB] =	sst s0  }
0x18: {  	s0 =	sld [smem:$0x3F9E];
	_ =	swait.ge [sflag:s4], $0x0  }
0x19: {  	s7 =	sld [smem:$0x3F9F]  }
0x1a: {  	s8 =	sadd.s32 $0xFFFFE003, lr  }
0x1b: {  	s9 =	sadd.s32 $0xFFFFFEF7, lr;
	s5 =	simm.s32 $0xFFFFFFFF;
	p2 =	slt.u32 s8, $0xFFFFF086  }
0x1c: {  	p1 =	slt.u32 s9, $0xF7A;
	s5 =	simm.s32 @!p2 $0x0  }
0x1d: {  	s5 =	simm.s32 @p1 $0x1;
	p0 =	seq.s32 s7, s2  }
0x1e: {  	s7 =	smul.u32 @!p0 $0xF7A, s2;
	p2 =	seq.s32 @!p0 s5, $0x0  }
0x1f: {  	s9 =	smul.u32 $0xF7A, s1;
	s8 =	simm.s32 @!p0 $0x1BF5;
	p2 =	por !p2, p0  }
0x20: {  	[sflag:s8] =	ssyncset.s32 @!p0 $0xFFFFF086;
	s6 =	sadd.s32 @!p0 s3, s7;
	s7 =	simm.s32 @!p0 $0x108  }
0x21: {  	s3 =	sadd.s32 s3, s9;
	s6 =	sadd.s32 @!p0 $0x88, s6;
	s7 =	simm.s32 @p2 $0x1082  }
0x22: {  	[simem:s7], [sflag:s8] =	dma.local @!p0 [hbm:s6], $0xF7A  }
0x23: {  	s9 =	sor.u32 $0xD0000000, s2;
	s6 =	simm.s32 $0x108;
	_ =	swait.ge @!p0 [sflag:s8], $0x0  }
0x24: {  	s3 =	sadd.s32 $0x88, s3;
	s6 =	simm.s32 @!p1 $0x1082;
	[sflag:s4] =	ssyncset.s32 $0xFFFFF086  }
0x25: {  	[simem:s6], [sflag:s4] =	dma.local [hbm:s3], $0xF7A  }
0x26: {  	[smem:$0x3F9F] =	sst s1;
	(tag) =	ssettag s2;
	_ =	strace s9  }
0x27: {  	s1 =	sld [smem:$0x3FAF]  }
0x28: {  	s2 =	sld [smem:$0x3FB0]  }
0x29: {  	s4 =	sld [smem:$0x3FB2]  }
0x2a: {  	p0 =	seq.s32 s5, $0x0;
	s5 =	sld [smem:$0x3FB3]  }
0x2b: {  	s6 =	sld [smem:$0x3FB4]  }
0x2c: {  	s7 =	sld [smem:$0x3FB5]  }
0x2d: {  	s3 =	simm.s32 $0x108;
	s8 =	sld [smem:$0x3FB6]  }
0x2e: {  	s3 =	simm.s32 @!p0 $0x1082;
	s9 =	sld [smem:$0x3FB7]  }
0x2f: {  	lr =	sadd.s32 s0, s3;
	s0 =	sld [smem:$0x3FAE]  }
0x30: {  	s3 =	sld [smem:$0x3FB1]  }
0x31: {  	[smem:$0x3FBA] =	sst s10  }
0x32: {  	s10 =	sld [smem:$0x3FB8];
	_ =	sdelay $0x3  }
0x33: {  	p0 =	seq.s32 s10, $0x1;
	s10 =	sld [smem:$0x3FBA];
	_ =	sdelay $0x3  }
0x34: {  	[smem:$0x3FBA] =	sst s10  }
0x35: {  	s10 =	sld [smem:$0x3FB9];
	_ =	sdelay $0x3  }
0x36: {  	p1 =	seq.s32 s10, $0x1;
	s10 =	sld [smem:$0x3FBA];
	_ =	sdelay $0x3  }
0x37: {  	[smem:$0x3FBA] =	sst s10  }
0x38: {  	s10 =	sld [smem:$0x3FBB]  }
0x39: {  	_ = 	snop;
	(pc) =	sbr.ind lr, $3  }
0x3a: {  	_ = 	snop  }
0x3b: {  	_ = 	snop  }
0x3c: {  	p2 =	seq.s32 s10, $0x1;
	s10 =	sld [smem:$0x3FBA]  }
0x3d: {  	_ =	shalt  }
0x3e: {  	_ =	shalt  }
0x3f: {  	_ =	shalt  }
0x40: {  	_ =	shalt  }
0x41: {  	_ =	shalt  }
0x42: {  	_ =	shalt  }
0x43: {  	_ =	shalt  }
0x44: {  	_ =	shalt  }
0x45: {  	_ =	shalt  }
0x46: {  	_ =	shalt  }
0x47: {  	_ =	shalt  }
0x48: {  	_ =	shalt  }
0x49: {  	_ =	shalt  }
0x4a: {  	_ =	shalt  }
0x4b: {  	_ =	shalt  }
0x4c: {  	_ =	shalt  }
0x4d: {  	_ =	shalt  }
0x4e: {  	_ =	shalt  }
0x4f: {  	_ =	shalt  }
0x50: {  	_ =	shalt  }
0x51: {  	_ =	shalt  }
0x52: {  	_ =	shalt  }
0x53: {  	_ =	shalt  }
0x54: {  	_ =	shalt  }
0x55: {  	_ =	shalt  }
0x56: {  	_ =	shalt  }
0x57: {  	_ =	shalt  }
0x58: {  	_ =	shalt  }
0x59: {  	_ =	shalt  }
0x5a: {  	_ =	shalt  }
0x5b: {  	_ =	shalt  }
0x5c: {  	_ =	shalt  }
0x5d: {  	_ =	shalt  }
0x5e: {  	_ =	shalt  }
0x5f: {  	_ =	shalt  }
0x60: {  	_ =	shalt  }
0x61: {  	_ =	shalt  }
0x62: {  	_ =	shalt  }
0x63: {  	_ =	shalt  }
0x64: {  	_ =	shalt  }
0x65: {  	_ =	shalt  }
0x66: {  	_ =	shalt  }
0x67: {  	_ =	shalt  }
0x68: {  	_ =	shalt  }
0x69: {  	_ =	shalt  }
0x6a: {  	_ =	shalt  }
0x6b: {  	_ =	shalt  }
0x6c: {  	_ =	shalt  }
0x6d: {  	_ =	shalt  }
0x6e: {  	_ =	shalt  }
0x6f: {  	_ =	shalt  }
0x70: {  	_ =	shalt  }
0x71: {  	_ =	shalt  }
0x72: {  	_ =	shalt  }
0x73: {  	_ =	shalt  }
0x74: {  	_ =	shalt  }
0x75: {  	_ =	shalt  }
0x76: {  	_ =	shalt  }
0x77: {  	_ =	shalt  }
0x78: {  	_ =	shalt  }
0x79: {  	_ =	shalt  }
0x7a: {  	_ =	shalt  }
0x7b: {  	_ =	shalt  }
0x7c: {  	_ =	shalt  }
0x7d: {  	_ =	shalt  }
0x7e: {  	_ =	shalt  }
0x7f: {  	_ =	shalt  }
0x80: {  	_ =	shalt  }
0x81: {  	_ =	shalt  }
0x82: {  	_ =	shalt  }
0x83: {  	_ =	shalt  }
0x84: {  	_ =	shalt  }
0x85: {  	_ =	shalt  }
0x86: {  	_ =	shalt  }
0x87: {  	_ =	shalt  }
.Lfunc_end0:
.L_simem_size_0:
called_computation_lowered:
.L_overlay_start_0:
0x88: {  	s2 =	sld [smem:$0x3FD9]  }
0x89: {  	s3 =	sld [smem:$0x3FFE];
	_ =	sdelay $0x1  }
0x8a: {  	s1 =	srdreg.scid  }
0x8b: {  	s0 =	sand.u32 $0x1, s1  }
0x8c: {  	s17 =	sshll.u32 s0, $0xA;
	s2 =	sadd.s32 s3, s2  }
0x8d: {  	s2 =	sadd.s32 s2, s17  }
0x8e: {  	[smem:$0x3FC6] =	sst s2  }
0x8f: {  	_ = 	snop  }
0x90: {  	s2 =	sld [smem:$0x3FC9]  }
0x91: {  	s18 =	sld [smem:$0x3FD0];
	(tm) =	ssettm $0x1  }
0x92: {  	s4 =	sld [smem:$0x3FFB];
	_ =	sdelay $0x3  }
0x93: {  	_ =	strace s4  }
0x94: {  	s4 =	sld [smem:$0x3FFC];
	_ =	sdelay $0x3  }
0x95: {  	_ =	strace s4  }
0x96: {  	s4 =	sld [smem:$0x3FFD];
	_ =	sdelay $0x3  }
0x97: {  	_ =	strace s4  }
0x98: {  	_ =	strace $0x8FFFFFFF  }
0x99: {  	s19 =	sld [smem:$0x3FDB];
	_ =	sdelay $0x1  }
0x9a: {  	s5 =	simm.s32 $_scs_section_size  }
0x9b: {  	s6 =	simm.s32 $_size__tile_overlayer_lowered;
	s7 =	simm.s32 $_tile_overlayer_lowered  }
0x9c: {  	s22 =	simm.s32 $0x1BFF;
	s21 =	sshll.u32 s7, $0x1;
	s4 =	sadd.s32 s5, s19  }
0x9d: {  	s8 =	simm.s32 $0x0;
	s20 =	sshll.u32 s6, $0x1;
	s6 =	sadd.s32 s21, s4  }
0x9e: {  	[timem:s8], [sflag:s22] =	dma.local [hbm:s6], s20  }
0x9f: {  	_ =	swait.ge [sflag:s22], s20  }
0xa0: {  	s5 =	ssub.s32 $0x0, s20;
	[sflag:s22] =	ssyncset.done $0x0  }
0xa1: {  	[sflag:s22] =	ssyncadd.s32 s5;
	_ =	sdelay $0x1  }
0xa2: {  	s23 =	simm.s32 $0x1B8B  }
0xa3: {  	_ =	swait.ge [sflag:s23], $0x1  }
0xa4: {  	[sflag:s23] =	ssyncset.done $0x0  }
0xa5: {  	s25 =	simm.s32 $0x1B8E;
	s24 =	sld [smem:$0x3FFE];
	[sflag:s23] =	ssyncadd.s32 $0xFFFFFFFF  }
0xa6: {  	s26 =	simm.s32 $execute0_lowered;
	[smem:$0x3FD2] =	sst s25  }
0xa7: {  	s6 =	sshll.u32 s26, $0x1;
	_ =	strace $0x80000046;
	[dreg:$0x1] =	wrdreg $0xFFFFFFFF  }
0xa8: {  	s28 =	simm.s32 $_size_execute0_lowered;
	s4 =	sadd.s32 s4, s6;
	[dreg:$0x0] =	wrdreg $0x0  }
0xa9: {  	s6 =	sshll.u32 s28, $0x1;
	[dreg:$0x2] =	wrdreg s4  }
0xaa: {  	[dreg:$0x3] =	wrdreg s6  }
0xab: {  	[dreg:$0x4] =	wrdreg $0xC0  }
0xac: {  	_ =	task [dreg:s8], $0x5FFFF  }
0xad: {  	[dreg:$0x1] =	wrdreg $0xFFFFFFFF  }
0xae: {  	[dreg:$0x0] =	wrdreg $0x60  }
0xaf: {  	[dreg:$0x2] =	wrdreg s2  }
0xb0: {  	[dreg:$0x3] =	wrdreg s24  }
0xb1: {  	[dreg:$0x4] =	wrdreg s18  }
0xb2: {  	[dreg:$0x5] =	wrdreg $0x9  }
0xb3: {  	_ =	task.clear_ibuf [dreg:s8], $0x6FFFF;
	_ =	strace $0x90000046  }
0xb4: {  	s29 =	simm.s32 $0x9;
	_ =	strace $0x80000048  }
0xb5: {  	_ =	swait.ge [sflag:s29], $0x1  }
0xb6: {  	[sflag:s29] =	ssyncadd.s32 $0xFFFFFFFF  }
0xb7: {  	_ =	strace $0x90000048  }
0xb8: {  	_ =	sfence  }
0xb9: {  	s30 =	sld [smem:$0x0];
	_ =	sdelay $0x2  }
0xba: {  	s31 =	sshll.u32 s1, $0xD;
	s1 =	sshrl.u32 s1, $0x2  }
0xbb: {  	s3 =	sand.u32 $0x4000, s31;
	s1 =	sadd.s32 s1, s30  }
0xbc: {  	s0 =	sor.u32 s3, s0;
	s1 =	sshll.u32 s1, $0x11  }
0xbd: {  	s0 =	sor.u32 s1, s0  }
0xbe: {  	s0 =	sadd.s32 $0x8F2B, s0  }
0xbf: {  	[sflag:s0] =	ssyncadd.remote.s32 $0x1  }
0xc0: {  	_ =	sfence.sel $0xFFFF  }
0xc1: {  	[dreg:$0x0] =	wrdreg $0xFFFFFFFF;
	(pc) =	sbr.abs _section_cstart, $3  }
0xc2: {  	[dreg:$0x1] =	wrdreg $0xFFFFFFFF  }
0xc3: {  	_ =	task.clear_ibuf [dreg:s8], $0x2FFFF;
	_ =	strace $0x9FFFFFFF  }
0xc4: {  	(tm) =	ssettm $0x7FFFFFFF  }
0xc5: {  	_ =	shalt  }
tec
execute0_lowered:
.L_overlay_start_1:
0x0: {  	(tag) =	ssettag $0x1  }
0x1: {  	s0 =	rddreg [dreg:$0x0]  }
0x2: {  	s4 =	rddreg [dreg:$0x1]  }
0x3: {  	s3 =	rddreg [dreg:$0x2]  }
0x4: {  	s5 =	srdreg.scid;
	s1 =	stileid.u32;
	s2 =	simm.s32 $0x0  }
0x5: {  	s18 =	simm.s32 $0x8A00;
	s19 =	simm.s32 $0x9200;
	s20 =	simm.s32 $0x9A00  }
0x6: {  	s21 =	simm.s32 $0xA200;
	s22 =	simm.s32 $0xAA00;
	[smem:$0x7FF] =	sst s2  }
0x7: {  	s23 =	simm.s32 $0xB200;
	_ =	strace $0x80000047;
	[dreg:$0x8] =	wrdreg s18  }
0x8: {  	s25 =	simm.s32 $0xBA00;
	s26 =	simm.s32 $0xC200;
	[dreg:$0x9] =	wrdreg s19  }
0x9: {  	s9 =	simm.s32 $0xEA00;
	s10 =	simm.s32 $0xF200;
	[dreg:$0xa] =	wrdreg s20  }
0xa: {  	s11 =	simm.s32 $0xFA00;
	s12 =	simm.s32 $0x10A00;
	[dreg:$0xb] =	wrdreg s21  }
0xb: {  	s13 =	simm.s32 $0x11200;
	s28 =	simm.s32 $0x4;
	[dreg:$0xc] =	wrdreg s22  }
0xc: {  	s29 =	simm.s32 $0x2;
	s30 =	simm.s32 $0x3;
	[dreg:$0xd] =	wrdreg s23  }
0xd: {  	s31 =	simm.s32 $0x5;
	s5 =	sand.u32 $0x1, s5;
	[dreg:$0xe] =	wrdreg s25  }
0xe: {  	s6 =	sshll.u32 s1, $0x1;
	s8 =	sshll.u32 s1, $0x7;
	[dreg:$0xf] =	wrdreg s26  }
0xf: {  	s4 =	sadd.s32 $0x400, s4;
	s6 =	sor.u32 s5, s6;
	[dreg:$0x14] =	wrdreg s9  }
0x10: {  	s7 =	sshll.u32 s5, $0x6;
	s5 =	ssub.s32 $0x2, s5;
	[dreg:$0x15] =	wrdreg s10  }
0x11: {  	s23 =	simm.s32 $0xD200;
	s25 =	simm.s32 $0xE200;
	[dreg:$0x16] =	wrdreg s11  }
0x12: {  	s9 =	simm.s32 $0x1200;
	s10 =	simm.s32 $0x1A00;
	[dreg:$0x17] =	wrdreg s12  }
0x13: {  	s11 =	simm.s32 $0x2200;
	s12 =	simm.s32 $0x2A00;
	[dreg:$0x18] =	wrdreg s13  }
0x14: {  	s13 =	simm.s32 $0x3200;
	s18 =	simm.s32 $0x13A00;
	s19 =	simm.s32 $0x14200  }
0x15: {  	s20 =	simm.s32 $0x14A00;
	s21 =	simm.s32 $0x15200;
	[dreg:$0x11] =	wrdreg s23  }
0x16: {  	s22 =	simm.s32 $0x15A00;
	s26 =	simm.s32 $0x17200;
	[dreg:$0x13] =	wrdreg s25  }
0x17: {  	s0 =	sadd.s32 s0, s7;
	s14 =	sshll.u32 s6, $0xE;
	[dreg:$0x1d] =	wrdreg s18  }
0x18: {  	s24 =	sshrl.u32 s5, $0x1;
	s6 =	sand.u32 $0x7, s6;
	[dreg:$0x1e] =	wrdreg s19  }
0x19: {  	s7 =	simm.s32 $0x200;
	s18 =	simm.s32 $0x5A00;
	[dreg:$0x1f] =	wrdreg s20  }
0x1a: {  	s19 =	simm.s32 $0x6200;
	s20 =	simm.s32 $0x6A00;
	[smem:$0x7F9] =	sst s21  }
0x1b: {  	s21 =	simm.s32 $0x7200;
	[smem:$0x7FA] =	sst s22;
	s23 =	simm.s32 $0x16200  }
0x1c: {  	s22 =	simm.s32 $0x7A00;
	[smem:$0x7FD] =	sst s26;
	s26 =	simm.s32 $0x1  }
0x1d: {  	s0 =	sadd.s32 s8, s0;
	s3 =	sadd.s32 s3, s14;
	[smem:$0x7FB] =	sst s23  }
0x1e: {  	s5 =	ssub.s32 s5, s24;
	s24 =	simm.s32 $0xDA00;
	[dreg:$0x4] =	wrdreg s0  }
0x1f: {  	s1 =	smul.u32 $0x170, s6;
	s14 =	simm.s32 $0x11A00;
	[dreg:$0x12] =	wrdreg s24  }
0x20: {  	s6 =	simm.s32 $0x7;
	s15 =	sadd.s32 $0x1000, s3;
	[dreg:$0x19] =	wrdreg s14  }
0x21: {  	s8 =	simm.s32 $0xA00;
	s16 =	sadd.s32 $0x2000, s3;
	[dreg:$0x5] =	wrdreg s15  }
0x22: {  	s23 =	simm.s32 $0x8200;
	s17 =	sadd.s32 $0x3000, s3;
	[dreg:$0x6] =	wrdreg s16  }
0x23: {  	s0 =	simm.s32 $0xCA00;
	s5 =	smax.u32 s5, $0x1;
	[dreg:$0x7] =	wrdreg s17  }
0x24: {  	s14 =	simm.s32 $0x3A00;
	s24 =	simm.s32 $0x16A00;
	[dreg:$0x10] =	wrdreg s0  }
0x25: {  	s15 =	simm.s32 $0x12200;
	s16 =	simm.s32 $0x12A00;
	[smem:$0x7FC] =	sst s24  }
0x26: {  	v3 =	vlaneseq.u32;
	s17 =	simm.s32 $0x13200;
	s24 =	simm.s32 $0x10200;
	[dreg:$0x1a] =	wrdreg s15  }
0x27: {  	vm0 =	vmmov $0xffff;
	v1 =	vand.u32 $0x7, v3;
	v2 =	vshrl.u32 v3, $0x3;
	s0 =	simm.s32 $0x6;
	s15 =	simm.s32 $0x4200;
	[dreg:$0x1b] =	wrdreg s16  }
0x28: {  	v3 =	vor.u32 $0x8, v3;
	v2 =	vmul.u32 $0x8, v2;
	v0 =	vmov s1;
	s16 =	simm.s32 $0x4A00;
	[dreg:$0x1c] =	wrdreg s17;
	s17 =	simm.s32 $0x5200  }
.LBB2_1:
0x29: {  	s1 =	rddreg [dreg:$0x4]  }
0x2a: {  	[tilespmem:s2], [sflag:$0x7] =	stream.linear.gather [hbm4b:s1+s2], $0x200, $0x38;
	[tilespmem:$0x18200] =	vst v63  }
0x2b: {  	_ =	swait.ge [sflag:s6], $0x200  }
0x2c: {  	[sflag:s6] =	ssyncset.done $0x0  }
0x2d: {  	[sflag:s6] =	ssyncadd.s32 $0xFFFFFE00  }
0x2e: {  	v4 =	vld [tilespmem:$0x0]  }
0x2f: {  	v10 =	vld [tilespmem:$0x50]  }
0x30: {  	v11 =	vld [tilespmem:$0x60]  }
0x31: {  	v13 =	vld [tilespmem:$0x70]  }
0x32: {  	v5 =	vld [tilespmem:$0x10];
	_ =	sdelay $0x1  }
0x33: {  	v6 =	vld [tilespmem:$0x20]  }
0x34: {  	vm1 =	veq.s32 v4, $0x0;
	v4 =	vadd.s32 $0xFFFFFFFF, v4;
	vm2 =	veq.s32 v10, $0x0  }
0x35: {  	v7 =	vld [tilespmem:$0x30];
	v19 =	vadd.s32 $0xFFFFFFFF, v10;
	v23 =	vadd.s32 $0xFFFFFFFF, v11;
	v25 =	vadd.s32 $0xFFFFFFFF, v13  }
0x36: {  	v4 =	vsel vm1, $0x16D, v4;
	vm1 =	veq.s32 v5, $0x0;
	v5 =	vadd.s32 $0xFFFFFFFF, v5  }
0x37: {  	v8 =	vld [tilespmem:$0x40];
	v20 =	vsel vm2, $0x16D, v19;
	v9 =	vadd.s32 v0, v4;
	v5 =	vsel vm1, $0x16D, v5  }
0x38: {  	vm1 =	veq.s32 v6, $0x0;
	v6 =	vadd.s32 $0xFFFFFFFF, v6;
	v4 =	vand.u32 $0x7, v4  }
0x39: {  	v22 =	vadd.s32 v0, v20;
	v6 =	vsel vm1, $0x16D, v6;
	v12 =	vshll.u32 v9, $0x1  }
0x3a: {  	vm1 =	veq.s32 v7, $0x0;
	v7 =	vadd.s32 $0xFFFFFFFF, v7;
	v12 =	vand.u32 $0xFFFFFFF0, v12  }
0x3b: {  	v5 =	vadd.s32 v0, v5;
	[tilespmem:$0x0] =	vst v9;
	v7 =	vsel vm1, $0x16D, v7;
	v4 =	vor.u32 v4, v12  }
0x3c: {  	[tilespmem:$0x50] =	vst v22;
	vm1 =	veq.s32 v8, $0x0;
	v8 =	vadd.s32 $0xFFFFFFFF, v8;
	v21 =	vperm.xlane v4, v1  }
0x3d: {  	v6 =	vadd.s32 v0, v6;
	[tilespmem:$0x10] =	vst v5;
	v5 =	vsel vm1, $0x16D, v8;
	vm1 =	veq.s32 v11, $0x0  }
0x3e: {  	[tilespmem:$0x20] =	vst v6;
	v5 =	vadd.s32 v0, v5;
	v4 =	vperm.xlane v4, v3;
	v24 =	vadd.s32 v2, v21  }
0x3f: {  	v7 =	vadd.s32 v0, v7;
	[tilespmem:$0x40] =	vst v5;
	v5 =	vsel vm1, $0x16D, v23;
	vm1 =	veq.s32 v13, $0x0  }
0x40: {  	[tilespmem:$0x30] =	vst v7;
	v5 =	vadd.s32 v0, v5;
	v26 =	vsel vm1, $0x16D, v25;
	v4 =	vadd.s32 v2, v4  }
0x41: {  	[tilespmem:$0x60] =	vst v5;
	v5 =	vadd.s32 v0, v26  }
0x42: {  	[tilespmem:$0x70] =	vst v5  }
0x43: {  	[tilespmem:s7], [sflag:$0x1] =	stream.indirect_vreg.gather [hbm4b:s4+s2], $0x80, v24, vm0, $0xb8;
	[tilespmem:$0x18200] =	vst v63  }
0x44: {  	_ = 	snop  }
0x45: {  	[tilespmem:s8], [sflag:$0x1] =	stream.indirect_vreg.gather [hbm4b:s4+s2], $0x80, v4, vm0, $0xb8;
	[tilespmem:$0x18200] =	vst v63  }
0x46: {  	v4 =	vld [tilespmem:$0x10];
	_ =	sdelay $0x4  }
0x47: {  	v5 =	vshll.u32 v4, $0x1  }
0x48: {  	v4 =	vand.u32 $0x7, v4;
	v5 =	vand.u32 $0xFFFFFFF0, v5  }
0x49: {  	v4 =	vor.u32 v4, v5  }
0x4a: {  	v5 =	vperm.xlane v4, v1;
	_ =	sdelay $0x1  }
0x4b: {  	v4 =	vperm.xlane v4, v3;
	v5 =	vadd.s32 v2, v5;
	_ =	sdelay $0x1  }
0x4c: {  	v4 =	vadd.s32 v2, v4;
	_ =	sdelay $0x2  }
0x4d: {  	[tilespmem:s9], [sflag:$0x1] =	stream.indirect_vreg.gather [hbm4b:s4+s2], $0x80, v5, vm0, $0xb8;
	[tilespmem:$0x18200] =	vst v63  }
0x4e: {  	_ = 	snop  }
0x4f: {  	[tilespmem:s10], [sflag:$0x1] =	stream.indirect_vreg.gather [hbm4b:s4+s2], $0x80, v4, vm0, $0xb8;
	[tilespmem:$0x18200] =	vst v63  }
0x50: {  	v4 =	vld [tilespmem:$0x20];
	_ =	sdelay $0x4  }
0x51: {  	v5 =	vshll.u32 v4, $0x1  }
0x52: {  	v4 =	vand.u32 $0x7, v4;
	v5 =	vand.u32 $0xFFFFFFF0, v5  }
0x53: {  	v4 =	vor.u32 v4, v5  }
0x54: {  	v5 =	vperm.xlane v4, v1;
	_ =	sdelay $0x1  }
0x55: {  	v4 =	vperm.xlane v4, v3;
	v5 =	vadd.s32 v2, v5;
	_ =	sdelay $0x1  }
0x56: {  	v4 =	vadd.s32 v2, v4;
	_ =	sdelay $0x2  }
0x57: {  	[tilespmem:s11], [sflag:$0x1] =	stream.indirect_vreg.gather [hbm4b:s4+s2], $0x80, v5, vm0, $0xb8;
	[tilespmem:$0x18200] =	vst v63  }
0x58: {  	_ = 	snop  }
0x59: {  	[tilespmem:s12], [sflag:$0x1] =	stream.indirect_vreg.gather [hbm4b:s4+s2], $0x80, v4, vm0, $0xb8;
	[tilespmem:$0x18200] =	vst v63  }
0x5a: {  	v4 =	vld [tilespmem:$0x30];
	_ =	sdelay $0x4  }
0x5b: {  	v5 =	vshll.u32 v4, $0x1  }
0x5c: {  	v4 =	vand.u32 $0x7, v4;
	v5 =	vand.u32 $0xFFFFFFF0, v5  }
0x5d: {  	v4 =	vor.u32 v4, v5  }
0x5e: {  	v5 =	vperm.xlane v4, v1;
	_ =	sdelay $0x1  }
0x5f: {  	v4 =	vperm.xlane v4, v3;
	v5 =	vadd.s32 v2, v5;
	_ =	sdelay $0x1  }
0x60: {  	v4 =	vadd.s32 v2, v4;
	_ =	sdelay $0x2  }
0x61: {  	[tilespmem:s13], [sflag:$0x1] =	stream.indirect_vreg.gather [hbm4b:s4+s2], $0x80, v5, vm0, $0xb8;
	[tilespmem:$0x18200] =	vst v63  }
0x62: {  	_ = 	snop  }
0x63: {  	[tilespmem:s14], [sflag:$0x1] =	stream.indirect_vreg.gather [hbm4b:s4+s2], $0x80, v4, vm0, $0xb8;
	[tilespmem:$0x18200] =	vst v63  }
0x64: {  	v4 =	vld [tilespmem:$0x40];
	_ =	sdelay $0x4  }
0x65: {  	v5 =	vshll.u32 v4, $0x1  }
0x66: {  	v4 =	vand.u32 $0x7, v4;
	v5 =	vand.u32 $0xFFFFFFF0, v5  }
0x67: {  	v4 =	vor.u32 v4, v5  }
0x68: {  	v5 =	vperm.xlane v4, v1;
	_ =	sdelay $0x1  }
0x69: {  	v4 =	vperm.xlane v4, v3;
	v5 =	vadd.s32 v2, v5;
	_ =	sdelay $0x1  }
0x6a: {  	v4 =	vadd.s32 v2, v4;
	_ =	sdelay $0x2  }
0x6b: {  	[tilespmem:s15], [sflag:$0x1] =	stream.indirect_vreg.gather [hbm4b:s4+s2], $0x80, v5, vm0, $0xb8;
	[tilespmem:$0x18200] =	vst v63  }
0x6c: {  	_ = 	snop  }
0x6d: {  	[tilespmem:s16], [sflag:$0x1] =	stream.indirect_vreg.gather [hbm4b:s4+s2], $0x80, v4, vm0, $0xb8;
	[tilespmem:$0x18200] =	vst v63  }
0x6e: {  	v4 =	vld [tilespmem:$0x50];
	_ =	sdelay $0x4  }
0x6f: {  	v5 =	vshll.u32 v4, $0x1  }
0x70: {  	v4 =	vand.u32 $0x7, v4;
	v5 =	vand.u32 $0xFFFFFFF0, v5  }
0x71: {  	v4 =	vor.u32 v4, v5  }
0x72: {  	v5 =	vperm.xlane v4, v1;
	_ =	sdelay $0x1  }
0x73: {  	v4 =	vperm.xlane v4, v3;
	v5 =	vadd.s32 v2, v5;
	_ =	sdelay $0x1  }
0x74: {  	v4 =	vadd.s32 v2, v4;
	_ =	sdelay $0x2  }
0x75: {  	[tilespmem:s17], [sflag:$0x1] =	stream.indirect_vreg.gather [hbm4b:s4+s2], $0x80, v5, vm0, $0xb8;
	[tilespmem:$0x18200] =	vst v63  }
0x76: {  	_ = 	snop  }
0x77: {  	[tilespmem:s18], [sflag:$0x1] =	stream.indirect_vreg.gather [hbm4b:s4+s2], $0x80, v4, vm0, $0xb8;
	[tilespmem:$0x18200] =	vst v63  }
0x78: {  	v4 =	vld [tilespmem:$0x60];
	_ =	sdelay $0x4  }
0x79: {  	v5 =	vshll.u32 v4, $0x1  }
0x7a: {  	v4 =	vand.u32 $0x7, v4;
	v5 =	vand.u32 $0xFFFFFFF0, v5  }
0x7b: {  	v4 =	vor.u32 v4, v5  }
0x7c: {  	v5 =	vperm.xlane v4, v1;
	_ =	sdelay $0x1  }
0x7d: {  	v4 =	vperm.xlane v4, v3;
	v5 =	vadd.s32 v2, v5;
	_ =	sdelay $0x1  }
0x7e: {  	v4 =	vadd.s32 v2, v4;
	_ =	sdelay $0x2  }
0x7f: {  	[tilespmem:s19], [sflag:$0x1] =	stream.indirect_vreg.gather [hbm4b:s4+s2], $0x80, v5, vm0, $0xb8;
	[tilespmem:$0x18200] =	vst v63  }
0x80: {  	_ = 	snop  }
0x81: {  	[tilespmem:s20], [sflag:$0x1] =	stream.indirect_vreg.gather [hbm4b:s4+s2], $0x80, v4, vm0, $0xb8;
	[tilespmem:$0x18200] =	vst v63  }
0x82: {  	v4 =	vld [tilespmem:$0x70];
	_ =	sdelay $0x4  }
0x83: {  	v5 =	vshll.u32 v4, $0x1  }
0x84: {  	v4 =	vand.u32 $0x7, v4;
	v5 =	vand.u32 $0xFFFFFFF0, v5  }
0x85: {  	v4 =	vor.u32 v4, v5  }
0x86: {  	v5 =	vperm.xlane v4, v1;
	_ =	sdelay $0x1  }
0x87: {  	v4 =	vperm.xlane v4, v3;
	v5 =	vadd.s32 v2, v5;
	_ =	sdelay $0x1  }
0x88: {  	v4 =	vadd.s32 v2, v4;
	_ =	sdelay $0x2  }
0x89: {  	[tilespmem:s21], [sflag:$0x1] =	stream.indirect_vreg.gather [hbm4b:s4+s2], $0x80, v5, vm0, $0xb8;
	[tilespmem:$0x18200] =	vst v63  }
0x8a: {  	_ = 	snop  }
0x8b: {  	[tilespmem:s22], [sflag:$0x1] =	stream.indirect_vreg.gather [hbm4b:s4+s2], $0x80, v4, vm0, $0xb8;
	[tilespmem:$0x18200] =	vst v63  }
0x8c: {  	v4 =	vld [tilespmem:$0x80]  }
0x8d: {  	v27 =	vld [tilespmem:$0xA0]  }
0x8e: {  	v28 =	vld [tilespmem:$0xB0]  }
0x8f: {  	v30 =	vld [tilespmem:$0xD0]  }
0x90: {  	v31 =	vld [tilespmem:$0xE0]  }
0x91: {  	v33 =	vld [tilespmem:$0xF0]  }
0x92: {  	v5 =	vld [tilespmem:$0x90];
	_ =	sdelay $0x1  }
0x93: {  	vm1 =	veq.s32 v4, $0x0;
	v4 =	vadd.s32 $0xFFFFFFFF, v4;
	v6 =	vadd.s32 $0xFFFFFFFF, v27  }
0x94: {  	v7 =	vadd.s32 $0xFFFFFFFF, v28;
	vm2 =	veq.s32 v30, $0x0;
	v34 =	vadd.s32 $0xFFFFFFFF, v30  }
0x95: {  	v38 =	vadd.s32 $0xFFFFFFFF, v31;
	v40 =	vadd.s32 $0xFFFFFFFF, v33;
	v4 =	vsel vm1, $0x16D, v4  }
0x96: {  	v8 =	vld [tilespmem:$0xC0];
	vm1 =	veq.s32 v5, $0x0;
	v5 =	vadd.s32 $0xFFFFFFFF, v5;
	v35 =	vsel vm2, $0x16D, v34  }
0x97: {  	v29 =	vadd.s32 v0, v4;
	v5 =	vsel vm1, $0x16D, v5;
	vm1 =	veq.s32 v27, $0x0  }
0x98: {  	v4 =	vand.u32 $0x7, v4;
	v37 =	vadd.s32 v0, v35;
	v32 =	vshll.u32 v29, $0x1  }
0x99: {  	v6 =	vsel vm1, $0x16D, v6;
	vm1 =	veq.s32 v28, $0x0;
	v12 =	vand.u32 $0xFFFFFFF0, v32  }
0x9a: {  	v5 =	vadd.s32 v0, v5;
	[tilespmem:$0x80] =	vst v29;
	v7 =	vsel vm1, $0x16D, v7;
	v4 =	vor.u32 v4, v12  }
0x9b: {  	[tilespmem:$0xD0] =	vst v37;
	vm1 =	veq.s32 v8, $0x0;
	v8 =	vadd.s32 $0xFFFFFFFF, v8;
	v36 =	vperm.xlane v4, v1  }
0x9c: {  	v6 =	vadd.s32 v0, v6;
	[tilespmem:$0x90] =	vst v5;
	v5 =	vsel vm1, $0x16D, v8;
	vm1 =	veq.s32 v31, $0x0  }
0x9d: {  	[tilespmem:$0xA0] =	vst v6;
	v5 =	vadd.s32 v0, v5;
	v4 =	vperm.xlane v4, v3;
	v39 =	vadd.s32 v2, v36  }
0x9e: {  	v7 =	vadd.s32 v0, v7;
	[tilespmem:$0xC0] =	vst v5;
	v5 =	vsel vm1, $0x16D, v38;
	vm1 =	veq.s32 v33, $0x0  }
0x9f: {  	[tilespmem:$0xB0] =	vst v7;
	v5 =	vadd.s32 v0, v5;
	v41 =	vsel vm1, $0x16D, v40;
	v4 =	vadd.s32 v2, v4  }
0xa0: {  	[tilespmem:$0xE0] =	vst v5;
	v5 =	vadd.s32 v0, v41  }
0xa1: {  	[tilespmem:$0xF0] =	vst v5  }
0xa2: {  	[tilespmem:s23], [sflag:$0x2] =	stream.indirect_vreg.gather [hbm4b:s4+s2], $0x80, v39, vm0, $0xb8;
	[tilespmem:$0x18200] =	vst v63  }
0xa3: {  	s25 =	rddreg [dreg:$0x8]  }
0xa4: {  	[tilespmem:s25], [sflag:$0x2] =	stream.indirect_vreg.gather [hbm4b:s4+s2], $0x80, v4, vm0, $0xb8;
	[tilespmem:$0x18200] =	vst v63  }
0xa5: {  	v4 =	vld [tilespmem:$0x90];
	_ =	sdelay $0x4  }
0xa6: {  	v5 =	vshll.u32 v4, $0x1  }
0xa7: {  	v4 =	vand.u32 $0x7, v4;
	v5 =	vand.u32 $0xFFFFFFF0, v5  }
0xa8: {  	v4 =	vor.u32 v4, v5  }
0xa9: {  	v5 =	vperm.xlane v4, v1;
	_ =	sdelay $0x1  }
0xaa: {  	v4 =	vperm.xlane v4, v3;
	v5 =	vadd.s32 v2, v5;
	_ =	sdelay $0x1  }
0xab: {  	v4 =	vadd.s32 v2, v4;
	_ =	sdelay $0x1  }
0xac: {  	s1 =	rddreg [dreg:$0x9]  }
0xad: {  	[tilespmem:s1], [sflag:$0x2] =	stream.indirect_vreg.gather [hbm4b:s4+s2], $0x80, v5, vm0, $0xb8;
	[tilespmem:$0x18200] =	vst v63  }
0xae: {  	s25 =	rddreg [dreg:$0xa]  }
0xaf: {  	[tilespmem:s25], [sflag:$0x2] =	stream.indirect_vreg.gather [hbm4b:s4+s2], $0x80, v4, vm0, $0xb8;
	[tilespmem:$0x18200] =	vst v63  }
0xb0: {  	v4 =	vld [tilespmem:$0xA0];
	_ =	sdelay $0x4  }
0xb1: {  	v5 =	vshll.u32 v4, $0x1  }
0xb2: {  	v4 =	vand.u32 $0x7, v4;
	v5 =	vand.u32 $0xFFFFFFF0, v5  }
0xb3: {  	v4 =	vor.u32 v4, v5  }
0xb4: {  	v5 =	vperm.xlane v4, v1;
	_ =	sdelay $0x1  }
0xb5: {  	v4 =	vperm.xlane v4, v3;
	v5 =	vadd.s32 v2, v5;
	_ =	sdelay $0x1  }
0xb6: {  	v4 =	vadd.s32 v2, v4;
	_ =	sdelay $0x1  }
0xb7: {  	s1 =	rddreg [dreg:$0xb]  }
0xb8: {  	[tilespmem:s1], [sflag:$0x2] =	stream.indirect_vreg.gather [hbm4b:s4+s2], $0x80, v5, vm0, $0xb8;
	[tilespmem:$0x18200] =	vst v63  }
0xb9: {  	s25 =	rddreg [dreg:$0xc]  }
0xba: {  	[tilespmem:s25], [sflag:$0x2] =	stream.indirect_vreg.gather [hbm4b:s4+s2], $0x80, v4, vm0, $0xb8;
	[tilespmem:$0x18200] =	vst v63  }
0xbb: {  	v4 =	vld [tilespmem:$0xB0];
	_ =	sdelay $0x4  }
0xbc: {  	v5 =	vshll.u32 v4, $0x1  }
0xbd: {  	v4 =	vand.u32 $0x7, v4;
	v5 =	vand.u32 $0xFFFFFFF0, v5  }
0xbe: {  	v4 =	vor.u32 v4, v5  }
0xbf: {  	v5 =	vperm.xlane v4, v1;
	_ =	sdelay $0x1  }
0xc0: {  	v4 =	vperm.xlane v4, v3;
	v5 =	vadd.s32 v2, v5;
	_ =	sdelay $0x1  }
0xc1: {  	v4 =	vadd.s32 v2, v4;
	_ =	sdelay $0x1  }
0xc2: {  	s1 =	rddreg [dreg:$0xd]  }
0xc3: {  	[tilespmem:s1], [sflag:$0x2] =	stream.indirect_vreg.gather [hbm4b:s4+s2], $0x80, v5, vm0, $0xb8;
	[tilespmem:$0x18200] =	vst v63  }
0xc4: {  	s25 =	rddreg [dreg:$0xe]  }
0xc5: {  	[tilespmem:s25], [sflag:$0x2] =	stream.indirect_vreg.gather [hbm4b:s4+s2], $0x80, v4, vm0, $0xb8;
	[tilespmem:$0x18200] =	vst v63  }
0xc6: {  	v4 =	vld [tilespmem:$0xC0];
	_ =	sdelay $0x4  }
0xc7: {  	v5 =	vshll.u32 v4, $0x1  }
0xc8: {  	v4 =	vand.u32 $0x7, v4;
	v5 =	vand.u32 $0xFFFFFFF0, v5  }
0xc9: {  	v4 =	vor.u32 v4, v5  }
0xca: {  	v5 =	vperm.xlane v4, v1;
	_ =	sdelay $0x1  }
0xcb: {  	v4 =	vperm.xlane v4, v3;
	v5 =	vadd.s32 v2, v5;
	_ =	sdelay $0x1  }
0xcc: {  	v4 =	vadd.s32 v2, v4;
	_ =	sdelay $0x1  }
0xcd: {  	s1 =	rddreg [dreg:$0xf]  }
0xce: {  	[tilespmem:s1], [sflag:$0x2] =	stream.indirect_vreg.gather [hbm4b:s4+s2], $0x80, v5, vm0, $0xb8;
	[tilespmem:$0x18200] =	vst v63  }
0xcf: {  	s25 =	rddreg [dreg:$0x10]  }
0xd0: {  	[tilespmem:s25], [sflag:$0x2] =	stream.indirect_vreg.gather [hbm4b:s4+s2], $0x80, v4, vm0, $0xb8;
	[tilespmem:$0x18200] =	vst v63  }
0xd1: {  	v4 =	vld [tilespmem:$0xD0];
	_ =	sdelay $0x4  }
0xd2: {  	v5 =	vshll.u32 v4, $0x1  }
0xd3: {  	v4 =	vand.u32 $0x7, v4;
	v5 =	vand.u32 $0xFFFFFFF0, v5  }
0xd4: {  	v4 =	vor.u32 v4, v5  }
0xd5: {  	v5 =	vperm.xlane v4, v1;
	_ =	sdelay $0x1  }
0xd6: {  	v4 =	vperm.xlane v4, v3;
	v5 =	vadd.s32 v2, v5;
	_ =	sdelay $0x1  }
0xd7: {  	v4 =	vadd.s32 v2, v4;
	_ =	sdelay $0x1  }
0xd8: {  	s1 =	rddreg [dreg:$0x11]  }
0xd9: {  	[tilespmem:s1], [sflag:$0x2] =	stream.indirect_vreg.gather [hbm4b:s4+s2], $0x80, v5, vm0, $0xb8;
	[tilespmem:$0x18200] =	vst v63  }
0xda: {  	s25 =	rddreg [dreg:$0x12]  }
0xdb: {  	[tilespmem:s25], [sflag:$0x2] =	stream.indirect_vreg.gather [hbm4b:s4+s2], $0x80, v4, vm0, $0xb8;
	[tilespmem:$0x18200] =	vst v63  }
0xdc: {  	v4 =	vld [tilespmem:$0xE0];
	_ =	sdelay $0x4  }
0xdd: {  	v5 =	vshll.u32 v4, $0x1  }
0xde: {  	v4 =	vand.u32 $0x7, v4;
	v5 =	vand.u32 $0xFFFFFFF0, v5  }
0xdf: {  	v4 =	vor.u32 v4, v5  }
0xe0: {  	v5 =	vperm.xlane v4, v1;
	_ =	sdelay $0x1  }
0xe1: {  	v4 =	vperm.xlane v4, v3;
	v5 =	vadd.s32 v2, v5;
	_ =	sdelay $0x1  }
0xe2: {  	v4 =	vadd.s32 v2, v4;
	_ =	sdelay $0x1  }
0xe3: {  	s1 =	rddreg [dreg:$0x13]  }
0xe4: {  	[tilespmem:s1], [sflag:$0x2] =	stream.indirect_vreg.gather [hbm4b:s4+s2], $0x80, v5, vm0, $0xb8;
	[tilespmem:$0x18200] =	vst v63  }
0xe5: {  	s25 =	rddreg [dreg:$0x14]  }
0xe6: {  	[tilespmem:s25], [sflag:$0x2] =	stream.indirect_vreg.gather [hbm4b:s4+s2], $0x80, v4, vm0, $0xb8;
	[tilespmem:$0x18200] =	vst v63  }
0xe7: {  	v4 =	vld [tilespmem:$0xF0];
	_ =	sdelay $0x4  }
0xe8: {  	v5 =	vshll.u32 v4, $0x1  }
0xe9: {  	v4 =	vand.u32 $0x7, v4;
	v5 =	vand.u32 $0xFFFFFFF0, v5  }
0xea: {  	v4 =	vor.u32 v4, v5  }
0xeb: {  	v5 =	vperm.xlane v4, v1;
	_ =	sdelay $0x1  }
0xec: {  	v4 =	vperm.xlane v4, v3;
	v5 =	vadd.s32 v2, v5;
	_ =	sdelay $0x1  }
0xed: {  	v4 =	vadd.s32 v2, v4;
	_ =	sdelay $0x1  }
0xee: {  	s1 =	rddreg [dreg:$0x15]  }
0xef: {  	[tilespmem:s1], [sflag:$0x2] =	stream.indirect_vreg.gather [hbm4b:s4+s2], $0x80, v5, vm0, $0xb8;
	[tilespmem:$0x18200] =	vst v63  }
0xf0: {  	s25 =	rddreg [dreg:$0x16]  }
0xf1: {  	[tilespmem:s25], [sflag:$0x2] =	stream.indirect_vreg.gather [hbm4b:s4+s2], $0x80, v4, vm0, $0xb8;
	[tilespmem:$0x18200] =	vst v63  }
0xf2: {  	v4 =	vld [tilespmem:$0x100]  }
0xf3: {  	v5 =	vld [tilespmem:$0x110]  }
0xf4: {  	v42 =	vld [tilespmem:$0x120]  }
0xf5: {  	v43 =	vld [tilespmem:$0x130]  }
0xf6: {  	v44 =	vld [tilespmem:$0x150]  }
0xf7: {  	v48 =	vld [tilespmem:$0x170];
	_ =	sdelay $0x2  }
0xf8: {  	vm1 =	veq.s32 v4, $0x0;
	v4 =	vadd.s32 $0xFFFFFFFF, v4;
	vm2 =	veq.s32 v5, $0x0  }
0xf9: {  	v8 =	vld [tilespmem:$0x140];
	v5 =	vadd.s32 $0xFFFFFFFF, v5;
	vm3 =	veq.s32 v42, $0x0;
	v6 =	vadd.s32 $0xFFFFFFFF, v42  }
0xfa: {  	v7 =	vadd.s32 $0xFFFFFFFF, v43;
	v9 =	vadd.s32 $0xFFFFFFFF, v44;
	v53 =	vadd.s32 $0xFFFFFFFF, v48  }
0xfb: {  	v4 =	vsel vm1, $0x16D, v4;
	v5 =	vsel vm2, $0x16D, v5;
	v6 =	vsel vm3, $0x16D, v6  }
0xfc: {  	v46 =	vld [tilespmem:$0x160];
	vm1 =	veq.s32 v43, $0x0;
	v45 =	vadd.s32 v0, v4;
	v5 =	vadd.s32 v0, v5  }
0xfd: {  	v7 =	vsel vm1, $0x16D, v7;
	v4 =	vand.u32 $0x7, v4;
	v47 =	vshll.u32 v45, $0x1  }
0xfe: {  	vm1 =	veq.s32 v8, $0x0;
	v8 =	vadd.s32 $0xFFFFFFFF, v8;
	v12 =	vand.u32 $0xFFFFFFF0, v47  }
0xff: {  	v6 =	vadd.s32 v0, v6;
	[tilespmem:$0x100] =	vst v45;
	v8 =	vsel vm1, $0x16D, v8;
	v4 =	vor.u32 v4, v12  }
0x100: {  	vm1 =	veq.s32 v44, $0x0;
	[tilespmem:$0x110] =	vst v5;
	v5 =	vadd.s32 v0, v7;
	v50 =	vperm.xlane v4, v1  }
0x101: {  	[tilespmem:$0x120] =	vst v6;
	v49 =	vsel vm1, $0x16D, v9;
	v51 =	vadd.s32 v0, v8;
	vm1 =	veq.s32 v46, $0x0  }
0x102: {  	[tilespmem:$0x130] =	vst v5;
	v5 =	vadd.s32 $0xFFFFFFFF, v46;
	v4 =	vperm.xlane v4, v3;
	v52 =	vadd.s32 v2, v50  }
0x103: {  	v7 =	vadd.s32 v0, v49;
	[tilespmem:$0x140] =	vst v51;
	v5 =	vsel vm1, $0x16D, v5;
	vm1 =	veq.s32 v48, $0x0  }
0x104: {  	[tilespmem:$0x150] =	vst v7;
	v5 =	vadd.s32 v0, v5;
	v6 =	vsel vm1, $0x16D, v53;
	v4 =	vadd.s32 v2, v4  }
0x105: {  	[tilespmem:$0x160] =	vst v5;
	v5 =	vadd.s32 v0, v6  }
0x106: {  	[tilespmem:$0x170] =	vst v5  }
0x107: {  	[tilespmem:s24], [sflag:$0x3] =	stream.indirect_vreg.gather [hbm4b:s4+s2], $0x80, v52, vm0, $0xb8;
	[tilespmem:$0x18200] =	vst v63  }
0x108: {  	s25 =	rddreg [dreg:$0x17]  }
0x109: {  	[tilespmem:s25], [sflag:$0x3] =	stream.indirect_vreg.gather [hbm4b:s4+s2], $0x80, v4, vm0, $0xb8;
	[tilespmem:$0x18200] =	vst v63  }
0x10a: {  	v4 =	vld [tilespmem:$0x110];
	_ =	sdelay $0x4  }
0x10b: {  	v5 =	vshll.u32 v4, $0x1  }
0x10c: {  	v4 =	vand.u32 $0x7, v4;
	v5 =	vand.u32 $0xFFFFFFF0, v5  }
0x10d: {  	v4 =	vor.u32 v4, v5  }
0x10e: {  	v5 =	vperm.xlane v4, v1;
	_ =	sdelay $0x1  }
0x10f: {  	v4 =	vperm.xlane v4, v3;
	v5 =	vadd.s32 v2, v5;
	_ =	sdelay $0x1  }
0x110: {  	v4 =	vadd.s32 v2, v4;
	_ =	sdelay $0x1  }
0x111: {  	s1 =	rddreg [dreg:$0x18]  }
0x112: {  	[tilespmem:s1], [sflag:$0x3] =	stream.indirect_vreg.gather [hbm4b:s4+s2], $0x80, v5, vm0, $0xb8;
	[tilespmem:$0x18200] =	vst v63  }
0x113: {  	s25 =	rddreg [dreg:$0x19]  }
0x114: {  	[tilespmem:s25], [sflag:$0x3] =	stream.indirect_vreg.gather [hbm4b:s4+s2], $0x80, v4, vm0, $0xb8;
	[tilespmem:$0x18200] =	vst v63  }
0x115: {  	v4 =	vld [tilespmem:$0x120];
	_ =	sdelay $0x4  }
0x116: {  	v5 =	vshll.u32 v4, $0x1  }
0x117: {  	v4 =	vand.u32 $0x7, v4;
	v5 =	vand.u32 $0xFFFFFFF0, v5  }
0x118: {  	v4 =	vor.u32 v4, v5  }
0x119: {  	v5 =	vperm.xlane v4, v1;
	_ =	sdelay $0x1  }
0x11a: {  	v4 =	vperm.xlane v4, v3;
	v5 =	vadd.s32 v2, v5;
	_ =	sdelay $0x1  }
0x11b: {  	v4 =	vadd.s32 v2, v4;
	_ =	sdelay $0x1  }
0x11c: {  	s1 =	rddreg [dreg:$0x1a]  }
0x11d: {  	[tilespmem:s1], [sflag:$0x3] =	stream.indirect_vreg.gather [hbm4b:s4+s2], $0x80, v5, vm0, $0xb8;
	[tilespmem:$0x18200] =	vst v63  }
0x11e: {  	s25 =	rddreg [dreg:$0x1b]  }
0x11f: {  	[tilespmem:s25], [sflag:$0x3] =	stream.indirect_vreg.gather [hbm4b:s4+s2], $0x80, v4, vm0, $0xb8;
	[tilespmem:$0x18200] =	vst v63  }
0x120: {  	v4 =	vld [tilespmem:$0x130];
	_ =	sdelay $0x4  }
0x121: {  	v5 =	vshll.u32 v4, $0x1  }
0x122: {  	v4 =	vand.u32 $0x7, v4;
	v5 =	vand.u32 $0xFFFFFFF0, v5  }
0x123: {  	v4 =	vor.u32 v4, v5  }
0x124: {  	v5 =	vperm.xlane v4, v1;
	_ =	sdelay $0x1  }
0x125: {  	v4 =	vperm.xlane v4, v3;
	v5 =	vadd.s32 v2, v5;
	_ =	sdelay $0x1  }
0x126: {  	v4 =	vadd.s32 v2, v4;
	_ =	sdelay $0x1  }
0x127: {  	s1 =	rddreg [dreg:$0x1c]  }
0x128: {  	[tilespmem:s1], [sflag:$0x3] =	stream.indirect_vreg.gather [hbm4b:s4+s2], $0x80, v5, vm0, $0xb8;
	[tilespmem:$0x18200] =	vst v63  }
0x129: {  	s25 =	rddreg [dreg:$0x1d]  }
0x12a: {  	[tilespmem:s25], [sflag:$0x3] =	stream.indirect_vreg.gather [hbm4b:s4+s2], $0x80, v4, vm0, $0xb8;
	[tilespmem:$0x18200] =	vst v63  }
0x12b: {  	v4 =	vld [tilespmem:$0x140];
	_ =	sdelay $0x4  }
0x12c: {  	v5 =	vshll.u32 v4, $0x1  }
0x12d: {  	v4 =	vand.u32 $0x7, v4;
	v5 =	vand.u32 $0xFFFFFFF0, v5  }
0x12e: {  	v4 =	vor.u32 v4, v5  }
0x12f: {  	v5 =	vperm.xlane v4, v1;
	_ =	sdelay $0x1  }
0x130: {  	v4 =	vperm.xlane v4, v3;
	v5 =	vadd.s32 v2, v5;
	_ =	sdelay $0x1  }
0x131: {  	v4 =	vadd.s32 v2, v4;
	_ =	sdelay $0x1  }
0x132: {  	s1 =	rddreg [dreg:$0x1e]  }
0x133: {  	[tilespmem:s1], [sflag:$0x3] =	stream.indirect_vreg.gather [hbm4b:s4+s2], $0x80, v5, vm0, $0xb8;
	[tilespmem:$0x18200] =	vst v63  }
0x134: {  	s25 =	rddreg [dreg:$0x1f]  }
0x135: {  	[tilespmem:s25], [sflag:$0x3] =	stream.indirect_vreg.gather [hbm4b:s4+s2], $0x80, v4, vm0, $0xb8;
	[tilespmem:$0x18200] =	vst v63  }
0x136: {  	v4 =	vld [tilespmem:$0x150];
	_ =	sdelay $0x4  }
0x137: {  	v5 =	vshll.u32 v4, $0x1  }
0x138: {  	v4 =	vand.u32 $0x7, v4;
	v5 =	vand.u32 $0xFFFFFFF0, v5  }
0x139: {  	v4 =	vor.u32 v4, v5  }
0x13a: {  	v5 =	vperm.xlane v4, v1;
	_ =	sdelay $0x1  }
0x13b: {  	v4 =	vperm.xlane v4, v3;
	v5 =	vadd.s32 v2, v5;
	_ =	sdelay $0x1  }
0x13c: {  	s1 =	sld [smem:$0x7F9];
	v4 =	vadd.s32 v2, v4;
	_ =	sdelay $0x1  }
0x13d: {  	s25 =	sld [smem:$0x7FA]  }
0x13e: {  	[tilespmem:s1], [sflag:$0x3] =	stream.indirect_vreg.gather [hbm4b:s4+s2], $0x80, v5, vm0, $0xb8;
	[tilespmem:$0x18200] =	vst v63  }
0x13f: {  	_ = 	snop  }
0x140: {  	[tilespmem:s25], [sflag:$0x3] =	stream.indirect_vreg.gather [hbm4b:s4+s2], $0x80, v4, vm0, $0xb8;
	[tilespmem:$0x18200] =	vst v63  }
0x141: {  	v4 =	vld [tilespmem:$0x160];
	_ =	sdelay $0x4  }
0x142: {  	v5 =	vshll.u32 v4, $0x1  }
0x143: {  	v4 =	vand.u32 $0x7, v4;
	v5 =	vand.u32 $0xFFFFFFF0, v5  }
0x144: {  	v4 =	vor.u32 v4, v5  }
0x145: {  	v5 =	vperm.xlane v4, v1;
	_ =	sdelay $0x1  }
0x146: {  	v4 =	vperm.xlane v4, v3;
	v5 =	vadd.s32 v2, v5;
	_ =	sdelay $0x1  }
0x147: {  	s1 =	sld [smem:$0x7FB];
	v4 =	vadd.s32 v2, v4;
	_ =	sdelay $0x1  }
0x148: {  	s25 =	sld [smem:$0x7FC]  }
0x149: {  	[tilespmem:s1], [sflag:$0x3] =	stream.indirect_vreg.gather [hbm4b:s4+s2], $0x80, v5, vm0, $0xb8;
	[tilespmem:$0x18200] =	vst v63  }
0x14a: {  	_ = 	snop  }
0x14b: {  	[tilespmem:s25], [sflag:$0x3] =	stream.indirect_vreg.gather [hbm4b:s4+s2], $0x80, v4, vm0, $0xb8;
	[tilespmem:$0x18200] =	vst v63  }
0x14c: {  	v4 =	vld [tilespmem:$0x170];
	_ =	sdelay $0x4  }
0x14d: {  	v5 =	vshll.u32 v4, $0x1  }
0x14e: {  	v4 =	vand.u32 $0x7, v4;
	v5 =	vand.u32 $0xFFFFFFF0, v5  }
0x14f: {  	v4 =	vor.u32 v4, v5  }
0x150: {  	v5 =	vperm.xlane v4, v1;
	_ =	sdelay $0x1  }
0x151: {  	v4 =	vperm.xlane v4, v3;
	v5 =	vadd.s32 v2, v5;
	_ =	sdelay $0x1  }
0x152: {  	s25 =	sld [smem:$0x7FD];
	v4 =	vadd.s32 v2, v4;
	_ =	sdelay $0x2  }
0x153: {  	[tilespmem:s25], [sflag:$0x3] =	stream.indirect_vreg.gather [hbm4b:s4+s2], $0x80, v5, vm0, $0xb8;
	[tilespmem:$0x18200] =	vst v63  }
0x154: {  	s25 =	simm.s32 $0x17A00  }
0x155: {  	[tilespmem:s25], [sflag:$0x3] =	stream.indirect_vreg.gather [hbm4b:s4+s2], $0x80, v4, vm0, $0xb8;
	[tilespmem:$0x18200] =	vst v63  }
0x156: {  	v4 =	vld [tilespmem:$0x180]  }
0x157: {  	v54 =	vld [tilespmem:$0x1A0]  }
0x158: {  	v55 =	vld [tilespmem:$0x1B0]  }
0x159: {  	v8 =	vld [tilespmem:$0x1C0]  }
0x15a: {  	v56 =	vld [tilespmem:$0x1D0]  }
0x15b: {  	v57 =	vld [tilespmem:$0x1E0]  }
0x15c: {  	v58 =	vld [tilespmem:$0x1F0]  }
0x15d: {  	v5 =	vld [tilespmem:$0x190];
	_ =	sdelay $0x1  }
0x15e: {  	vm1 =	veq.s32 v4, $0x0;
	v4 =	vadd.s32 $0xFFFFFFFF, v4  }
0x15f: {  	v6 =	vadd.s32 $0xFFFFFFFF, v54;
	v7 =	vadd.s32 $0xFFFFFFFF, v55;
	v59 =	vadd.s32 $0xFFFFFFFF, v8  }
0x160: {  	v60 =	vadd.s32 $0xFFFFFFFF, v56;
	v62 =	vadd.s32 $0xFFFFFFFF, v57;
	v63 =	vadd.s32 $0xFFFFFFFF, v58  }
0x161: {  	v4 =	vsel vm1, $0x16D, v4;
	vm1 =	veq.s32 v5, $0x0;
	v5 =	vadd.s32 $0xFFFFFFFF, v5  }
0x162: {  	v5 =	vsel vm1, $0x16D, v5;
	vm1 =	veq.s32 v54, $0x0;
	v4 =	vadd.s32 v0, v4  }
0x163: {  	v5 =	vadd.s32 v0, v5;
	v6 =	vsel vm1, $0x16D, v6;
	vm1 =	veq.s32 v55, $0x0;
	[tilespmem:$0x180] =	vst v4  }
0x164: {  	v6 =	vadd.s32 v0, v6;
	v4 =	vsel vm1, $0x16D, v7;
	vm1 =	veq.s32 v8, $0x0;
	[tilespmem:$0x190] =	vst v5  }
0x165: {  	v5 =	vsel vm1, $0x16D, v59;
	vm1 =	veq.s32 v56, $0x0;
	[tilespmem:$0x1A0] =	vst v6;
	v4 =	vadd.s32 v0, v4  }
0x166: {  	v61 =	vsel vm1, $0x16D, v60;
	v5 =	vadd.s32 v0, v5;
	[tilespmem:$0x1B0] =	vst v4;
	vm1 =	veq.s32 v57, $0x0  }
0x167: {  	v4 =	vadd.s32 v0, v61;
	[tilespmem:$0x1C0] =	vst v5;
	v5 =	vsel vm1, $0x16D, v62;
	vm1 =	veq.s32 v58, $0x0  }
0x168: {  	[tilespmem:$0x1D0] =	vst v4;
	v4 =	vadd.s32 v0, v5;
	v5 =	vsel vm1, $0x16D, v63  }
0x169: {  	[tilespmem:$0x1E0] =	vst v4;
	v4 =	vadd.s32 v0, v5  }
0x16a: {  	[tilespmem:$0x1F0] =	vst v4  }
0x16b: {  	_ =	swait.ge [sflag:s26], $0x8000  }
0x16c: {  	[sflag:s26] =	ssyncset.done $0x0  }
0x16d: {  	[sflag:s26] =	ssyncadd.s32 $0xFFFF8000  }
0x16e: {  	[hbm4b:s3+s2] =	stream.linear.scatter [tilespmem:s7], [sflag:$0x4], $0x8000, $0x38;
	[tilespmem:$0x18200] =	vst v63  }
0x16f: {  	_ =	swait.ge [sflag:s28], $0x8000  }
0x170: {  	[sflag:s28] =	ssyncset.done $0x0  }
0x171: {  	[sflag:s28] =	ssyncadd.s32 $0xFFFF8000  }
0x172: {  	v4 =	vld [tilespmem:$0x180];
	_ =	sdelay $0x4  }
0x173: {  	v5 =	vshll.u32 v4, $0x1  }
0x174: {  	v4 =	vand.u32 $0x7, v4;
	v5 =	vand.u32 $0xFFFFFFF0, v5  }
0x175: {  	v4 =	vor.u32 v4, v5  }
0x176: {  	v5 =	vperm.xlane v4, v1;
	_ =	sdelay $0x1  }
0x177: {  	v4 =	vperm.xlane v4, v3;
	v5 =	vadd.s32 v2, v5;
	_ =	sdelay $0x1  }
0x178: {  	v4 =	vadd.s32 v2, v4;
	_ =	sdelay $0x2  }
0x179: {  	[tilespmem:s7], [sflag:$0x1] =	stream.indirect_vreg.gather [hbm4b:s4+s2], $0x80, v5, vm0, $0xb8;
	[tilespmem:$0x18200] =	vst v63  }
0x17a: {  	_ = 	snop  }
0x17b: {  	[tilespmem:s8], [sflag:$0x1] =	stream.indirect_vreg.gather [hbm4b:s4+s2], $0x80, v4, vm0, $0xb8;
	[tilespmem:$0x18200] =	vst v63  }
0x17c: {  	v4 =	vld [tilespmem:$0x190];
	_ =	sdelay $0x4  }
0x17d: {  	v5 =	vshll.u32 v4, $0x1  }
0x17e: {  	v4 =	vand.u32 $0x7, v4;
	v5 =	vand.u32 $0xFFFFFFF0, v5  }
0x17f: {  	v4 =	vor.u32 v4, v5  }
0x180: {  	v5 =	vperm.xlane v4, v1;
	_ =	sdelay $0x1  }
0x181: {  	v4 =	vperm.xlane v4, v3;
	v5 =	vadd.s32 v2, v5;
	_ =	sdelay $0x1  }
0x182: {  	v4 =	vadd.s32 v2, v4;
	_ =	sdelay $0x2  }
0x183: {  	[tilespmem:s9], [sflag:$0x1] =	stream.indirect_vreg.gather [hbm4b:s4+s2], $0x80, v5, vm0, $0xb8;
	[tilespmem:$0x18200] =	vst v63  }
0x184: {  	_ = 	snop  }
0x185: {  	[tilespmem:s10], [sflag:$0x1] =	stream.indirect_vreg.gather [hbm4b:s4+s2], $0x80, v4, vm0, $0xb8;
	[tilespmem:$0x18200] =	vst v63  }
0x186: {  	v4 =	vld [tilespmem:$0x1A0];
	_ =	sdelay $0x4  }
0x187: {  	v5 =	vshll.u32 v4, $0x1  }
0x188: {  	v4 =	vand.u32 $0x7, v4;
	v5 =	vand.u32 $0xFFFFFFF0, v5  }
0x189: {  	v4 =	vor.u32 v4, v5  }
0x18a: {  	v5 =	vperm.xlane v4, v1;
	_ =	sdelay $0x1  }
0x18b: {  	v4 =	vperm.xlane v4, v3;
	v5 =	vadd.s32 v2, v5;
	_ =	sdelay $0x1  }
0x18c: {  	v4 =	vadd.s32 v2, v4;
	_ =	sdelay $0x2  }
0x18d: {  	[tilespmem:s11], [sflag:$0x1] =	stream.indirect_vreg.gather [hbm4b:s4+s2], $0x80, v5, vm0, $0xb8;
	[tilespmem:$0x18200] =	vst v63  }
0x18e: {  	_ = 	snop  }
0x18f: {  	[tilespmem:s12], [sflag:$0x1] =	stream.indirect_vreg.gather [hbm4b:s4+s2], $0x80, v4, vm0, $0xb8;
	[tilespmem:$0x18200] =	vst v63  }
0x190: {  	v4 =	vld [tilespmem:$0x1B0];
	_ =	sdelay $0x4  }
0x191: {  	v5 =	vshll.u32 v4, $0x1  }
0x192: {  	v4 =	vand.u32 $0x7, v4;
	v5 =	vand.u32 $0xFFFFFFF0, v5  }
0x193: {  	v4 =	vor.u32 v4, v5  }
0x194: {  	v5 =	vperm.xlane v4, v1;
	_ =	sdelay $0x1  }
0x195: {  	v4 =	vperm.xlane v4, v3;
	v5 =	vadd.s32 v2, v5;
	_ =	sdelay $0x1  }
0x196: {  	v4 =	vadd.s32 v2, v4;
	_ =	sdelay $0x2  }
0x197: {  	[tilespmem:s13], [sflag:$0x1] =	stream.indirect_vreg.gather [hbm4b:s4+s2], $0x80, v5, vm0, $0xb8;
	[tilespmem:$0x18200] =	vst v63  }
0x198: {  	_ = 	snop  }
0x199: {  	[tilespmem:s14], [sflag:$0x1] =	stream.indirect_vreg.gather [hbm4b:s4+s2], $0x80, v4, vm0, $0xb8;
	[tilespmem:$0x18200] =	vst v63  }
0x19a: {  	v4 =	vld [tilespmem:$0x1C0];
	_ =	sdelay $0x4  }
0x19b: {  	v5 =	vshll.u32 v4, $0x1  }
0x19c: {  	v4 =	vand.u32 $0x7, v4;
	v5 =	vand.u32 $0xFFFFFFF0, v5  }
0x19d: {  	v4 =	vor.u32 v4, v5  }
0x19e: {  	v5 =	vperm.xlane v4, v1;
	_ =	sdelay $0x1  }
0x19f: {  	v4 =	vperm.xlane v4, v3;
	v5 =	vadd.s32 v2, v5;
	_ =	sdelay $0x1  }
0x1a0: {  	v4 =	vadd.s32 v2, v4;
	_ =	sdelay $0x2  }
0x1a1: {  	[tilespmem:s15], [sflag:$0x1] =	stream.indirect_vreg.gather [hbm4b:s4+s2], $0x80, v5, vm0, $0xb8;
	[tilespmem:$0x18200] =	vst v63  }
0x1a2: {  	_ = 	snop  }
0x1a3: {  	[tilespmem:s16], [sflag:$0x1] =	stream.indirect_vreg.gather [hbm4b:s4+s2], $0x80, v4, vm0, $0xb8;
	[tilespmem:$0x18200] =	vst v63  }
0x1a4: {  	v4 =	vld [tilespmem:$0x1D0];
	_ =	sdelay $0x4  }
0x1a5: {  	v5 =	vshll.u32 v4, $0x1  }
0x1a6: {  	v4 =	vand.u32 $0x7, v4;
	v5 =	vand.u32 $0xFFFFFFF0, v5  }
0x1a7: {  	v4 =	vor.u32 v4, v5  }
0x1a8: {  	v5 =	vperm.xlane v4, v1;
	_ =	sdelay $0x1  }
0x1a9: {  	v4 =	vperm.xlane v4, v3;
	v5 =	vadd.s32 v2, v5;
	_ =	sdelay $0x1  }
0x1aa: {  	v4 =	vadd.s32 v2, v4;
	_ =	sdelay $0x2  }
0x1ab: {  	[tilespmem:s17], [sflag:$0x1] =	stream.indirect_vreg.gather [hbm4b:s4+s2], $0x80, v5, vm0, $0xb8;
	[tilespmem:$0x18200] =	vst v63  }
0x1ac: {  	_ = 	snop  }
0x1ad: {  	[tilespmem:s18], [sflag:$0x1] =	stream.indirect_vreg.gather [hbm4b:s4+s2], $0x80, v4, vm0, $0xb8;
	[tilespmem:$0x18200] =	vst v63  }
0x1ae: {  	v4 =	vld [tilespmem:$0x1E0];
	_ =	sdelay $0x4  }
0x1af: {  	v5 =	vshll.u32 v4, $0x1  }
0x1b0: {  	v4 =	vand.u32 $0x7, v4;
	v5 =	vand.u32 $0xFFFFFFF0, v5  }
0x1b1: {  	v4 =	vor.u32 v4, v5  }
0x1b2: {  	v5 =	vperm.xlane v4, v1;
	_ =	sdelay $0x1  }
0x1b3: {  	v4 =	vperm.xlane v4, v3;
	v5 =	vadd.s32 v2, v5;
	_ =	sdelay $0x1  }
0x1b4: {  	v4 =	vadd.s32 v2, v4;
	_ =	sdelay $0x2  }
0x1b5: {  	[tilespmem:s19], [sflag:$0x1] =	stream.indirect_vreg.gather [hbm4b:s4+s2], $0x80, v5, vm0, $0xb8;
	[tilespmem:$0x18200] =	vst v63  }
0x1b6: {  	_ = 	snop  }
0x1b7: {  	[tilespmem:s20], [sflag:$0x1] =	stream.indirect_vreg.gather [hbm4b:s4+s2], $0x80, v4, vm0, $0xb8;
	[tilespmem:$0x18200] =	vst v63  }
0x1b8: {  	v4 =	vld [tilespmem:$0x1F0];
	_ =	sdelay $0x4  }
0x1b9: {  	v5 =	vshll.u32 v4, $0x1  }
0x1ba: {  	v4 =	vand.u32 $0x7, v4;
	v5 =	vand.u32 $0xFFFFFFF0, v5  }
0x1bb: {  	v4 =	vor.u32 v4, v5  }
0x1bc: {  	v5 =	vperm.xlane v4, v1;
	_ =	sdelay $0x1  }
0x1bd: {  	v4 =	vperm.xlane v4, v3;
	v5 =	vadd.s32 v2, v5;
	_ =	sdelay $0x1  }
0x1be: {  	v4 =	vadd.s32 v2, v4;
	_ =	sdelay $0x2  }
0x1bf: {  	[tilespmem:s21], [sflag:$0x1] =	stream.indirect_vreg.gather [hbm4b:s4+s2], $0x80, v5, vm0, $0xb8;
	[tilespmem:$0x18200] =	vst v63  }
0x1c0: {  	_ = 	snop  }
0x1c1: {  	[tilespmem:s22], [sflag:$0x1] =	stream.indirect_vreg.gather [hbm4b:s4+s2], $0x80, v4, vm0, $0xb8;
	[tilespmem:$0x18200] =	vst v63  }
0x1c2: {  	_ =	swait.ge [sflag:s29], $0x8000  }
0x1c3: {  	[sflag:s29] =	ssyncset.done $0x0  }
0x1c4: {  	s25 =	rddreg [dreg:$0x5];
	[sflag:s29] =	ssyncadd.s32 $0xFFFF8000  }
0x1c5: {  	[hbm4b:s25+s2] =	stream.linear.scatter [tilespmem:s23], [sflag:$0x5], $0x8000, $0x38;
	[tilespmem:$0x18200] =	vst v63  }
0x1c6: {  	_ =	swait.ge [sflag:s30], $0x8000  }
0x1c7: {  	[sflag:s30] =	ssyncset.done $0x0  }
0x1c8: {  	s25 =	rddreg [dreg:$0x6];
	[sflag:s30] =	ssyncadd.s32 $0xFFFF8000  }
0x1c9: {  	[hbm4b:s25+s2] =	stream.linear.scatter [tilespmem:s24], [sflag:$0x6], $0x8000, $0x38;
	[tilespmem:$0x18200] =	vst v63  }
0x1ca: {  	_ =	swait.ge [sflag:s26], $0x8000  }
0x1cb: {  	[sflag:s26] =	ssyncset.done $0x0  }
0x1cc: {  	s25 =	rddreg [dreg:$0x7];
	[sflag:s26] =	ssyncadd.s32 $0xFFFF8000  }
0x1cd: {  	[hbm4b:s25+s2] =	stream.linear.scatter [tilespmem:s7], [sflag:$0x4], $0x8000, $0x38;
	[tilespmem:$0x18200] =	vst v63  }
0x1ce: {  	_ =	swait.ge [sflag:s31], $0x8000  }
0x1cf: {  	[sflag:s31] =	ssyncset.done $0x0  }
0x1d0: {  	[sflag:s31] =	ssyncadd.s32 $0xFFFF8000  }
0x1d1: {  	p0 =	sne.s32 s5, $0x1;
	_ =	swait.ge [sflag:s0], $0x8000  }
.Ltmp0:
0x1d2: {  	[sflag:s0] =	ssyncset.done $0x0;
	(pc) =	sbr.rel @p0 .LBB2_1-.Ltmp0, $4  }
0x1d3: {  	[sflag:s0] =	ssyncadd.s32 $0xFFFF8000  }
0x1d4: {  	_ =	swait.ge [sflag:s28], $0x8000  }
0x1d5: {  	[sflag:s28] =	ssyncset.done $0x0  }
0x1d6: {  	s5 =	sadd.s32 $0xFFFFFFFF, s5;
	[sflag:s28] =	ssyncadd.s32 $0xFFFF8000  }
0x1d7: {  	_ =	sfence.sel $0x180000  }
0x1d8: {  	[bflag:$0x0] =	sbarrier.arrive $0xFFFF  }
0x1d9: {  	_ =	strace $0x90000047  }
0x1da: {  	s0 =	stileid.u32;
	[bflag:$0x2] =	sbarrier.arrive $0xFFFF  }
0x1db: {  	p0 =	sne.s32 s0, $0x0;
	s0 =	rddreg [dreg:$0x3]  }
0x1dc: {  	s0 =	sadd.s32 @!p0 $0x100000, s0  }
0x1dd: {  	[sflag:s0] =	ssyncadd.tile.s32 @!p0 $0x1;
	_ =	shalt  }
.Lfunc_end2:
_tile_overlayer_lowered:
.L_overlay_start_2:
0x1de: {  	(tag) =	ssettag $0x2  }
0x1df: {  	s0 =	rddreg [dreg:$0x0];
	s2 =	stileid.u32  }
0x1e0: {  	s1 =	rddreg [dreg:$0x1];
	p0 =	sne.s32 s2, $0x0  }
0x1e1: {  	s3 =	rddreg [dreg:$0x2];
	[bflag:$0x3] =	sbarrier.arrive $0xFFFF;
	s2 =	simm.s32 @!p0 $0x1C07  }
0x1e2: {  	[timem:s3], [sflag:s2] =	dma.local @!p0 [hbm:s0], s1  }
0x1e3: {  	s0 =	simm.s32 @!p0 $0x7  }
0x1e4: {  	_ =	swait.ge @!p0 [sflag:s0], s1  }
0x1e5: {  	s1 =	ssub.s32 @!p0 $0x0, s1;
	[sflag:s0] =	ssyncset.done @!p0 $0x0  }
0x1e6: {  	[sflag:s0] =	ssyncadd.s32 @!p0 s1  }
0x1e7: {  	[bflag:$0x3] =	sbarrier.arrive $0xFFFF  }
0x1e8: {  	_ =	shalt  }

</sc_bundles>
